<compile_context>
chip_gen: v7x
topology: tpu7x:2x2x1
jax: 0.10.2.dev20260603
libtpu: 0.0.44.dev20260713+nightly
codegen_flags: <defaults>
</compile_context>

<pallas_src>
import functools

import jax
import jax.numpy as jnp
from jax import lax
from jax.experimental import pallas as pl
from jax.experimental.pallas import tpu as pltpu
from jax.experimental.pallas import tpu_sc as plsc

B = 2
T = 3
N = 4096
M = 1024
K = 32
R2 = 0.9 * 0.9
NPROB = B * T
NCOMBO = B * T * T
PAIRS = NCOMBO * M
NCHUNK = N // 16
RB = 64
NBLK = PAIRS // RB


def _fps_body(x_ref, y_ref, z_ref, ax_ref, ay_ref, az_ref):
    x = x_ref[...]
    y = y_ref[...]
    z = z_ref[...]
    iota_n = lax.broadcasted_iota(jnp.int32, (8, N), 1)
    lane = lax.broadcasted_iota(jnp.int32, (8, 128), 1)
    dist = jnp.full((8, N), 1e10, jnp.float32)
    cx = x[:, 0:1]
    cy = y[:, 0:1]
    cz = z[:, 0:1]
    zero = jnp.zeros((8, N), jnp.float32)

    def inner(j, st):
        dist, cx, cy, cz, accx, accy, accz = st
        accx = jnp.where(lane == j, cx, accx)
        accy = jnp.where(lane == j, cy, accy)
        accz = jnp.where(lane == j, cz, accz)
        dx = x - cx
        dy = y - cy
        dz = z - cz
        nd = (dx * dx + dy * dy) + dz * dz
        dist = jnp.minimum(dist, nd)
        mx = jnp.max(dist, axis=1, keepdims=True)
        cand = jnp.where(dist == mx, iota_n, N)
        fi = jnp.min(cand, axis=1, keepdims=True)
        sel = iota_n == fi
        cx = jnp.sum(jnp.where(sel, x, zero), axis=1, keepdims=True)
        cy = jnp.sum(jnp.where(sel, y, zero), axis=1, keepdims=True)
        cz = jnp.sum(jnp.where(sel, z, zero), axis=1, keepdims=True)
        return (dist, cx, cy, cz, accx, accy, accz)

    for c in range(M // 128):
        acc = (jnp.zeros((8, 128), jnp.float32),) * 3
        st = lax.fori_loop(0, 128, inner, (dist, cx, cy, cz) + acc)
        dist, cx, cy, cz, accx, accy, accz = st
        ax_ref[:, c * 128:(c + 1) * 128] = accx
        ay_ref[:, c * 128:(c + 1) * 128] = accy
        az_ref[:, c * 128:(c + 1) * 128] = accz


def _run_fps(xc, yc, zc):
    out = pl.pallas_call(
        _fps_body,
        out_shape=[jax.ShapeDtypeStruct((8, M), jnp.float32)] * 3,
    )(xc, yc, zc)
    return out


MB = 256


def _mask_body(a_ref, xt_ref, pm_ref, out_ref):
    a = a_ref[0]
    xt = xt_ref[0]
    sqa = (a[:, 0:1] * a[:, 0:1] + a[:, 1:2] * a[:, 1:2]) + a[:, 2:3] * a[:, 2:3]
    sqb = (xt[0:1] * xt[0:1] + xt[1:2] * xt[1:2]) + xt[2:3] * xt[2:3]
    e = jnp.dot(a, xt, preferred_element_type=jnp.float32)
    d2 = (sqa + sqb) - 2.0 * e
    mb = (d2 < jnp.float32(R2)).astype(jnp.bfloat16)
    pk = jnp.dot(mb, pm_ref[...], preferred_element_type=jnp.float32)
    lo = pk[:, :128].astype(jnp.int32)
    hi = pk[:, 128:].astype(jnp.int32)
    out_ref[0] = lo | (hi << 16)


def _combo_p(c):
    return (c // 9) * 3 + (c % 9) // 3


def _combo_q(c):
    return (c // 9) * 3 + jnp.clip((c % 9) // 3 - 1 + c % 3, 0, 2)


def _run_mask(anchors6, xt6, pm):
    return pl.pallas_call(
        _mask_body,
        grid=(NCOMBO, M // MB),
        in_specs=[
            pl.BlockSpec((1, MB, 3), lambda c, mb: (_combo_p(c), mb, 0)),
            pl.BlockSpec((1, 3, N), lambda c, mb: (_combo_q(c), 0, 0)),
            pl.BlockSpec((N, 256), lambda c, mb: (0, 0)),
        ],
        out_specs=pl.BlockSpec((1, MB, 128), lambda c, mb: (c, mb, 0)),
        out_shape=jax.ShapeDtypeStruct((NCOMBO, M, 128), jnp.int32),
    )(anchors6, xt6, pm)


def _make_packmat():
    n = jnp.arange(N)
    col = jnp.where(n % 32 < 16, n // 32, 128 + n // 32)
    val = (2.0 ** (n % 16)).astype(jnp.bfloat16)
    pm = jnp.zeros((N, 256), jnp.bfloat16)
    return pm.at[n, col].set(val)


def _popc32(v):
    u = plsc.bitcast(v, jnp.uint32)
    u = u - ((u >> 1) & 0x55555555)
    u = (u & 0x33333333) + ((u >> 2) & 0x33333333)
    u = (u + (u >> 4)) & 0x0F0F0F0F
    return plsc.bitcast((u * 0x01010101) >> 24, jnp.int32)



def _sc_ballquery_body(pts_hbm, anch_hbm, mask_hbm, out_hbm, pts, anch,
                       maskbuf, idxbuf, ox, oy, oz):
    wid = lax.axis_index("s") * 2 + lax.axis_index("c")
    pltpu.sync_copy(pts_hbm, pts)
    pltpu.sync_copy(anch_hbm, anch)
    iota16 = lax.broadcasted_iota(jnp.int32, (16,), 0)

    def do_row(r, bases):
        xbase, ybase, zbase, p1024, m0 = bases
        aoff = (p1024 + m0 + r) * 3
        ax = plsc.load_gather(anch, [jnp.full((16,), aoff, jnp.int32)])
        ay = plsc.load_gather(anch, [jnp.full((16,), aoff + 1, jnp.int32)])
        az = plsc.load_gather(anch, [jnp.full((16,), aoff + 2, jnp.int32)])
        mwbase = r * 128
        wbl = iota16 * 32

        def cond(st):
            cntv, g, firstv = st
            return jnp.all(cntv < K) & (g < 8)

        def body(st):
            cntv, g, firstv = st
            wv = maskbuf[pl.ds(mwbase + g * 16, 16)]
            cw = _popc32(wv)
            cumw = plsc.cumsum(cw)
            basev = cntv + cumw - cw
            wb = g * 512 + wbl
            low0 = wv & jnp.negative(wv)
            lanefirst = jnp.where(cw > 0, wb + _popc32(low0 - 1), N)
            firstv = jnp.minimum(firstv, lanefirst)
            useful = jnp.clip(jnp.minimum(cw, K - basev), 0, 32)
            itermax = jnp.max(useful)

            def inner(j, ist):
                v, slotv = ist
                lowb = v & jnp.negative(v)
                bp = _popc32(lowb - 1)
                ext = v != 0
                plsc.store_scatter(idxbuf, [slotv], wb + bp,
                                   mask=ext & (slotv < K))
                return v & (v - 1), slotv + ext.astype(jnp.int32)

            lax.fori_loop(0, itermax, inner, (wv, basev))
            return cntv + jnp.max(cumw), g + 1, firstv

        cntv, _, firstv = lax.while_loop(
            cond, body, (jnp.zeros((16,), jnp.int32), jnp.int32(0),
                         jnp.full((16,), N, jnp.int32)))
        fvec = jnp.where(cntv > 0,
                         jnp.full((16,), jnp.min(firstv), jnp.int32), 0)
        for kc in range(2):
            vi = idxbuf[pl.ds(kc * 16, 16)]
            use = (kc * 16 + iota16) < cntv
            vi = jnp.where(use, vi, fvec)
            gx = plsc.load_gather(pts, [xbase + vi])
            gy = plsc.load_gather(pts, [ybase + vi])
            gz = plsc.load_gather(pts, [zbase + vi])
            krow = kc * 16 + iota16
            rvec = jnp.full((16,), r, jnp.int32)
            plsc.store_scatter(ox, [krow, rvec], gx - ax)
            plsc.store_scatter(oy, [krow, rvec], gy - ay)
            plsc.store_scatter(oz, [krow, rvec], gz - az)
        return bases

    def blk_loop(i, _):
        blk = wid + i * 32
        c = blk // (M // RB)
        m0 = (blk % (M // RB)) * RB
        b = c // 9
        tout = (c % 9) // 3
        ti = c % 3
        f = jnp.clip(tout - 1 + ti, 0, 2)
        q = b * 3 + f
        xbase = q * 3 * N
        pltpu.sync_copy(mask_hbm.at[pl.ds(blk * (RB * 128), RB * 128)],
                        maskbuf)
        lax.fori_loop(0, RB, do_row,
                      (xbase, xbase + N, xbase + 2 * N,
                       (b * 3 + tout) * M, m0))
        pltpu.sync_copy(ox, out_hbm.at[0, :, blk, :])
        pltpu.sync_copy(oy, out_hbm.at[1, :, blk, :])
        pltpu.sync_copy(oz, out_hbm.at[2, :, blk, :])
        return 0

    lax.fori_loop(0, NBLK // 32, blk_loop, 0)


def _run_ballquery(pts_flat, anch_flat, mask_flat):
    mesh = plsc.VectorSubcoreMesh(core_axis_name="c", subcore_axis_name="s")
    kern = functools.partial(
        pl.kernel,
        out_type=jax.ShapeDtypeStruct((3, K, NBLK, RB), jnp.float32),
        mesh=mesh,
        compiler_params=pltpu.CompilerParams(needs_layout_passes=False),
        scratch_types=[
            pltpu.VMEM((NPROB * 3 * N,), jnp.float32),
            pltpu.VMEM((NPROB * M * 3,), jnp.float32),
            pltpu.VMEM((RB * 128,), jnp.int32),
            pltpu.VMEM((64,), jnp.int32),
            pltpu.VMEM((K, RB), jnp.float32),
            pltpu.VMEM((K, RB), jnp.float32),
            pltpu.VMEM((K, RB), jnp.float32),
        ],
    )(_sc_ballquery_body)
    return kern(pts_flat, anch_flat, mask_flat)


def _mlp_body(d3_ref, wd_ref, wm_ref, out_ref):
    d3 = d3_ref[:, 0, 0, :]
    lane = lax.broadcasted_iota(jnp.int32, (1, PAIRS), 1)
    dt = (((lane // M) % 3) - 1).astype(jnp.float32)
    a4 = jnp.concatenate([d3, dt], axis=0)
    h = jnp.maximum(
        jnp.dot(wd_ref[...], a4, preferred_element_type=jnp.float32), 0.0)
    fo = jnp.maximum(
        jnp.dot(wm_ref[...], h, preferred_element_type=jnp.float32), 0.0)
    parts = []
    for g in range(NPROB):
        s = fo[:, 3 * g * M:(3 * g + 1) * M]
        s = jnp.maximum(s, fo[:, (3 * g + 1) * M:(3 * g + 2) * M])
        s = jnp.maximum(s, fo[:, (3 * g + 2) * M:(3 * g + 3) * M])
        parts.append(s)
    fr = jnp.concatenate(parts, axis=1)
    k = pl.program_id(0)

    @pl.when(k == 0)
    def _():
        out_ref[...] = fr

    @pl.when(k > 0)
    def _():
        out_ref[...] = jnp.maximum(out_ref[...], fr)


def _run_mlp(d3, w_d, w_mlp):
    return pl.pallas_call(
        _mlp_body,
        grid=(K,),
        in_specs=[
            pl.BlockSpec((3, 1, 1, PAIRS), lambda k: (0, k, 0, 0)),
            pl.BlockSpec((K, 4), lambda k: (0, 0)),
            pl.BlockSpec((64, K), lambda k: (0, 0)),
        ],
        out_specs=pl.BlockSpec((64, NPROB * M), lambda k: (0, 0)),
        out_shape=jax.ShapeDtypeStruct((64, NPROB * M), jnp.float32),
    )(d3.reshape(3, K, 1, PAIRS), w_d, w_mlp)


def kernel(xyzs, W_d, W_mlp):
    pts6 = xyzs.reshape(NPROB, N, 3)
    coord = jnp.transpose(pts6, (2, 0, 1))
    pad = jnp.zeros((8 - NPROB, N), jnp.float32)
    xc = jnp.concatenate([coord[0], pad], axis=0)
    yc = jnp.concatenate([coord[1], pad], axis=0)
    zc = jnp.concatenate([coord[2], pad], axis=0)
    ax, ay, az = _run_fps(xc, yc, zc)

    anchors = jnp.stack([ax[:NPROB], ay[:NPROB], az[:NPROB]], axis=-1)
    new_xyzs = anchors.reshape(B, T, M, 3)

    xt6 = jnp.transpose(pts6, (0, 2, 1))
    wbits = _run_mask(anchors, xt6, _make_packmat())
    pts_flat = xt6.reshape(-1)
    anch_flat = anchors.reshape(-1)
    d3 = _run_ballquery(pts_flat, anch_flat, wbits.reshape(-1))

    feat = _run_mlp(d3, W_d, W_mlp)
    new_features = jnp.transpose(feat.reshape(64, NPROB, M),
                                 (1, 0, 2)).reshape(B, T, 64, M)
    return new_xyzs, new_features

# --- scband reference (transcript-rebuilt; emitter-appended) ---
"""Pipeline reference for scband-p4-dconv-695784702574 (READ-ONLY COPY).

The authoritative reference and input builder live on the scoring server;
editing this copy changes nothing except your own understanding.
"""

import jax, jax.numpy as jnp
import numpy as np

R = 0.9
K = 32
SPATIAL_STRIDE = 4
TKS = 3  # temporal kernel size


def fps(xyz, n_samples):
    # xyz: [B, N, 3] -> indices [B, n_samples] (furthest point sampling, seed index 0)
    B, N, _ = xyz.shape

    def step(carry, _):
        distance, farthest = carry
        centroid = jnp.take_along_axis(xyz, farthest[:, None, None], axis=1)  # [B,1,3]
        dist = jnp.sum((xyz - centroid) ** 2, axis=-1)  # [B,N]
        distance = jnp.minimum(distance, dist)
        new_farthest = jnp.argmax(distance, axis=-1).astype(jnp.int32)
        return (distance, new_farthest), farthest

    init = (jnp.full((B, N), 1e10, dtype=xyz.dtype), jnp.zeros((B,), dtype=jnp.int32))
    _, idx_seq = jax.lax.scan(step, init, None, length=n_samples)
    return jnp.transpose(idx_seq)  # [B, n_samples]


def ball_query(r, k, xyz, new_xyz):
    # xyz: [B,N,3] neighbor points, new_xyz: [B,M,3] anchors -> idx [B,M,k]
    B, N, _ = xyz.shape
    sq_a = jnp.sum(new_xyz * new_xyz, axis=-1)[:, :, None]
    sq_b = jnp.sum(xyz * xyz, axis=-1)[:, None, :]
    sqrdists = sq_a + sq_b - 2.0 * jnp.einsum('bmd,bnd->bmn', new_xyz, xyz)  # [B,M,N]
    arange = jnp.arange(N, dtype=jnp.int32)
    group_idx = jnp.where(sqrdists < r * r, arange[None, None, :], N)
    group_idx = jnp.sort(group_idx, axis=-1)[:, :, :k]  # first k in-ball indices
    group_first = group_idx[:, :, :1]
    group_first = jnp.where(group_first == N, 0, group_first)
    group_idx = jnp.where(group_idx == N, group_first, group_idx)
    return group_idx.astype(jnp.int32)


def reference(xyzs, W_d, W_mlp):
    # xyzs: [B, T, N, 3]; W_d: [32, 4]; W_mlp: [64, 32]
    B, T, N, _ = xyzs.shape
    M = N // SPATIAL_STRIDE
    half = TKS // 2
    frames = [xyzs[:, t] for t in range(T)]
    # replicate temporal padding [1, 1]
    frames = [frames[0]] + frames + [frames[-1]]

    new_xyzs = []
    new_features = []
    for t in range(half, len(frames) - half):
        anchor_idx = fps(frames[t], M)  # [B, M]
        anchor_xyz = jnp.take_along_axis(frames[t], anchor_idx[:, :, None], axis=1)  # [B,M,3]
        anchor_exp = jnp.transpose(anchor_xyz, (0, 2, 1))[:, :, :, None]  # [B,3,M,1]
        feats = []
        for i in range(t - half, t + half + 1):
            nb = frames[i]  # [B,N,3]
            idx = ball_query(R, K, nb, anchor_xyz)  # [B,M,K]
            grouped = jnp.take_along_axis(nb[:, None, :, :], idx[..., None], axis=2)  # [B,M,K,3]
            disp = jnp.transpose(grouped, (0, 3, 1, 2)) - anchor_exp  # [B,3,M,K]
            t_disp = jnp.full((B, 1, M, K), float(i - t), dtype=xyzs.dtype)
            d = jnp.concatenate([disp, t_disp], axis=1)  # [B,4,M,K]
            d = jax.nn.relu(jnp.einsum('oc,bcmk->bomk', W_d, d))     # conv_d 1x1 + ReLU
            f = jax.nn.relu(jnp.einsum('oc,bcmk->bomk', W_mlp, d))   # mlp 1x1 + ReLU
            f = jnp.max(f, axis=-1)  # spatial max pool -> [B,64,M]
            feats.append(f)
        stacked = jnp.stack(feats, axis=1)  # [B,TKS,64,M]
        new_feature = jnp.max(stacked, axis=1)  # temporal max pool -> [B,64,M]
        new_xyzs.append(anchor_xyz)
        new_features.append(new_feature)
    return jnp.stack(new_xyzs, axis=1), jnp.stack(new_features, axis=1)


def setup_inputs(seed: int = 0) -> dict:
    key = jax.random.key(seed)
    k1, k2, k3 = jax.random.split(key, 3)
    xyzs = jax.random.normal(k1, (2, 3, 4096, 3), dtype=jnp.float32)
    W_d = jax.random.normal(k2, (32, 4), dtype=jnp.float32) * 0.1
    W_mlp = jax.random.normal(k3, (64, 32), dtype=jnp.float32) * 0.1
    return {"xyzs": xyzs, "W_d": W_d, "W_mlp": W_mlp}

if __name__ == "__main__":
    import jax
    _d = setup_inputs()
    print(jax.jit(kernel)(*tuple(_d.values())))

</pallas_src>

<mosaic_0001>
#map = affine_map<(d0, d1) -> (0)>
#map1 = affine_map<(d0, d1) -> (0, 0, 0, 0)>
module attributes {stable_mosaic.version = 14 : i64} {
  func.func @_sc_ballquery_body(%arg0: i32, %arg1: i32, %arg2: memref<73728xf32, #tpu.memory_space<hbm>>, %arg3: memref<18432xf32, #tpu.memory_space<hbm>>, %arg4: memref<2359296xi32, #tpu.memory_space<hbm>>, %arg5: memref<3x32x288x64xf32, #tpu.memory_space<hbm>>, %arg6: memref<73728xf32, #tpu.memory_space<vmem>>, %arg7: memref<18432xf32, #tpu.memory_space<vmem>>, %arg8: memref<8192xi32, #tpu.memory_space<vmem>>, %arg9: memref<64xi32, #tpu.memory_space<vmem>>, %arg10: memref<32x64xf32, #tpu.memory_space<vmem>>, %arg11: memref<32x64xf32, #tpu.memory_space<vmem>>, %arg12: memref<32x64xf32, #tpu.memory_space<vmem>>) attributes {dimension_semantics = [#tpu.dimension_semantics<core_parallel>, #tpu.dimension_semantics<subcore_parallel>], iteration_bounds = array<i64: 2, 16>, scalar_prefetch = 0 : i64, scratch_operands = 7 : i64, tpu.core_type = #tpu.core_type<sc_vector_subcore>, window_params = [{transform_indices = #map}, {transform_indices = #map}, {transform_indices = #map}, {transform_indices = #map1}]} {
    %mul3A = arith.constant 2 : i32
    %mul3A_0 = arith.muli %arg1, %mul3A : i32
    %add3A = arith.addi %mul3A_0, %arg0 : i32
    "tpu.region"() ({
      %run_scoped3A = tpu.sem_alloc : memref<!tpu.dma_semaphore, #tpu.memory_space<semaphore_mem>>
      tpu.enqueue_dma source(%arg2 : memref<73728xf32, #tpu.memory_space<hbm>>) target(%arg6 : memref<73728xf32, #tpu.memory_space<vmem>>) target_semaphore(%run_scoped3A : memref<!tpu.dma_semaphore, #tpu.memory_space<semaphore_mem>>)
      tpu.wait_dma2 semaphore(%run_scoped3A : memref<!tpu.dma_semaphore, #tpu.memory_space<semaphore_mem>>) src(%arg2 : memref<73728xf32, #tpu.memory_space<hbm>>) dst(%arg6 : memref<73728xf32, #tpu.memory_space<vmem>>)
      tpu.yield
    }) : () -> ()
    "tpu.region"() ({
      %run_scoped3A = tpu.sem_alloc : memref<!tpu.dma_semaphore, #tpu.memory_space<semaphore_mem>>
      tpu.enqueue_dma source(%arg3 : memref<18432xf32, #tpu.memory_space<hbm>>) target(%arg7 : memref<18432xf32, #tpu.memory_space<vmem>>) target_semaphore(%run_scoped3A : memref<!tpu.dma_semaphore, #tpu.memory_space<semaphore_mem>>)
      tpu.wait_dma2 semaphore(%run_scoped3A : memref<!tpu.dma_semaphore, #tpu.memory_space<semaphore_mem>>) src(%arg3 : memref<18432xf32, #tpu.memory_space<hbm>>) dst(%arg7 : memref<18432xf32, #tpu.memory_space<vmem>>)
      tpu.yield
    }) : () -> ()
    %iota3A = tpu.iota {dimensions = array<i32: 0>} : vector<16xi32>
    %scan3A = arith.constant 0 : i32
    %scan3A_1 = arith.constant 0 : i32
    %scan3A_2 = arith.constant 9 : i32
    %scan3A_3 = arith.addi %scan3A_1, %scan3A_2 : i32
    %scan3A_4 = arith.constant 1 : i32
    %scan3A_5 = scf.for %scan3A_7 = %scan3A_1 to %scan3A_3 step %scan3A_4 iter_args(%scan3A_8 = %scan3A) -> (i32)  : i32 {
      %mul3A_9 = arith.constant 32 : i32
      %mul3A_10 = arith.muli %scan3A_7, %mul3A_9 : i32
      %add3A_11 = arith.addi %add3A, %mul3A_10 : i32
      %jit3A = arith.constant 16 : i32
      %div3A = arith.divsi %add3A_11, %jit3A : i32
      %sign3A = arith.constant 0 : i32
      %sign3A_12 = arith.cmpi sgt, %add3A_11, %sign3A : i32
      %sign3A_13 = arith.extui %sign3A_12 : i1 to i32
      %sign3A_14 = arith.constant 0 : i32
      %sign3A_15 = arith.cmpi slt, %add3A_11, %sign3A_14 : i32
      %sign3A_16 = arith.extui %sign3A_15 : i1 to i32
      %sign3A_17 = arith.subi %sign3A_13, %sign3A_16 : i32
      %sign3A_18 = arith.constant 0 : i32
      %sign3A_19 = arith.cmpi sgt, %jit3A, %sign3A_18 : i32
      %sign3A_20 = arith.extui %sign3A_19 : i1 to i32
      %sign3A_21 = arith.constant 0 : i32
      %sign3A_22 = arith.cmpi slt, %jit3A, %sign3A_21 : i32
      %sign3A_23 = arith.extui %sign3A_22 : i1 to i32
      %sign3A_24 = arith.subi %sign3A_20, %sign3A_23 : i32
      %ne3A = arith.cmpi ne, %sign3A_17, %sign3A_24 : i32
      %rem3A = arith.remsi %add3A_11, %jit3A : i32
      %ne3A_25 = arith.constant 0 : i32
      %ne3A_26 = arith.cmpi ne, %rem3A, %ne3A_25 : i32
      %and3A = arith.andi %ne3A, %ne3A_26 : i1
      %sub3A = arith.constant 1 : i32
      %sub3A_27 = arith.subi %div3A, %sub3A : i32
      %select_n3A = arith.select %and3A, %sub3A_27, %div3A : i32
      %jit3A_28 = arith.constant 16 : i32
      %eq3A = arith.constant 0 : i32
      %eq3A_29 = arith.cmpi eq, %jit3A_28, %eq3A : i32
      %jit3A_30 = arith.constant 1 : i32
      %select_n3A_31 = arith.select %eq3A_29, %jit3A_30, %jit3A_28 : i32
      %rem3A_32 = arith.remsi %add3A_11, %select_n3A_31 : i32
      %ne3A_33 = arith.constant 0 : i32
      %ne3A_34 = arith.cmpi ne, %rem3A_32, %ne3A_33 : i32
      %lt3A = arith.constant 0 : i32
      %lt3A_35 = arith.cmpi slt, %rem3A_32, %lt3A : i32
      %lt3A_36 = arith.constant 0 : i32
      %lt3A_37 = arith.cmpi slt, %select_n3A_31, %lt3A_36 : i32
      %ne3A_38 = arith.xori %lt3A_35, %lt3A_37 : i1
      %and3A_39 = arith.andi %ne3A_38, %ne3A_34 : i1
      %add3A_40 = arith.addi %rem3A_32, %select_n3A_31 : i32
      %select_n3A_41 = arith.select %and3A_39, %add3A_40, %rem3A_32 : i32
      %mul3A_42 = arith.constant 64 : i32
      %mul3A_43 = arith.muli %select_n3A_41, %mul3A_42 : i32
      %jit3A_44 = arith.constant 9 : i32
      %div3A_45 = arith.divsi %select_n3A, %jit3A_44 : i32
      %sign3A_46 = arith.constant 0 : i32
      %sign3A_47 = arith.cmpi sgt, %select_n3A, %sign3A_46 : i32
      %sign3A_48 = arith.extui %sign3A_47 : i1 to i32
      %sign3A_49 = arith.constant 0 : i32
      %sign3A_50 = arith.cmpi slt, %select_n3A, %sign3A_49 : i32
      %sign3A_51 = arith.extui %sign3A_50 : i1 to i32
      %sign3A_52 = arith.subi %sign3A_48, %sign3A_51 : i32
      %sign3A_53 = arith.constant 0 : i32
      %sign3A_54 = arith.cmpi sgt, %jit3A_44, %sign3A_53 : i32
      %sign3A_55 = arith.extui %sign3A_54 : i1 to i32
      %sign3A_56 = arith.constant 0 : i32
      %sign3A_57 = arith.cmpi slt, %jit3A_44, %sign3A_56 : i32
      %sign3A_58 = arith.extui %sign3A_57 : i1 to i32
      %sign3A_59 = arith.subi %sign3A_55, %sign3A_58 : i32
      %ne3A_60 = arith.cmpi ne, %sign3A_52, %sign3A_59 : i32
      %rem3A_61 = arith.remsi %select_n3A, %jit3A_44 : i32
      %ne3A_62 = arith.constant 0 : i32
      %ne3A_63 = arith.cmpi ne, %rem3A_61, %ne3A_62 : i32
      %and3A_64 = arith.andi %ne3A_60, %ne3A_63 : i1
      %sub3A_65 = arith.constant 1 : i32
      %sub3A_66 = arith.subi %div3A_45, %sub3A_65 : i32
      %select_n3A_67 = arith.select %and3A_64, %sub3A_66, %div3A_45 : i32
      %jit3A_68 = arith.constant 9 : i32
      %eq3A_69 = arith.constant 0 : i32
      %eq3A_70 = arith.cmpi eq, %jit3A_68, %eq3A_69 : i32
      %jit3A_71 = arith.constant 1 : i32
      %select_n3A_72 = arith.select %eq3A_70, %jit3A_71, %jit3A_68 : i32
      %rem3A_73 = arith.remsi %select_n3A, %select_n3A_72 : i32
      %ne3A_74 = arith.constant 0 : i32
      %ne3A_75 = arith.cmpi ne, %rem3A_73, %ne3A_74 : i32
      %lt3A_76 = arith.constant 0 : i32
      %lt3A_77 = arith.cmpi slt, %rem3A_73, %lt3A_76 : i32
      %lt3A_78 = arith.constant 0 : i32
      %lt3A_79 = arith.cmpi slt, %select_n3A_72, %lt3A_78 : i32
      %ne3A_80 = arith.xori %lt3A_77, %lt3A_79 : i1
      %and3A_81 = arith.andi %ne3A_80, %ne3A_75 : i1
      %add3A_82 = arith.addi %rem3A_73, %select_n3A_72 : i32
      %select_n3A_83 = arith.select %and3A_81, %add3A_82, %rem3A_73 : i32
      %jit3A_84 = arith.constant 3 : i32
      %div3A_85 = arith.divsi %select_n3A_83, %jit3A_84 : i32
      %sign3A_86 = arith.constant 0 : i32
      %sign3A_87 = arith.cmpi sgt, %select_n3A_83, %sign3A_86 : i32
      %sign3A_88 = arith.extui %sign3A_87 : i1 to i32
      %sign3A_89 = arith.constant 0 : i32
      %sign3A_90 = arith.cmpi slt, %select_n3A_83, %sign3A_89 : i32
      %sign3A_91 = arith.extui %sign3A_90 : i1 to i32
      %sign3A_92 = arith.subi %sign3A_88, %sign3A_91 : i32
      %sign3A_93 = arith.constant 0 : i32
      %sign3A_94 = arith.cmpi sgt, %jit3A_84, %sign3A_93 : i32
      %sign3A_95 = arith.extui %sign3A_94 : i1 to i32
      %sign3A_96 = arith.constant 0 : i32
      %sign3A_97 = arith.cmpi slt, %jit3A_84, %sign3A_96 : i32
      %sign3A_98 = arith.extui %sign3A_97 : i1 to i32
      %sign3A_99 = arith.subi %sign3A_95, %sign3A_98 : i32
      %ne3A_100 = arith.cmpi ne, %sign3A_92, %sign3A_99 : i32
      %rem3A_101 = arith.remsi %select_n3A_83, %jit3A_84 : i32
      %ne3A_102 = arith.constant 0 : i32
      %ne3A_103 = arith.cmpi ne, %rem3A_101, %ne3A_102 : i32
      %and3A_104 = arith.andi %ne3A_100, %ne3A_103 : i1
      %sub3A_105 = arith.constant 1 : i32
      %sub3A_106 = arith.subi %div3A_85, %sub3A_105 : i32
      %select_n3A_107 = arith.select %and3A_104, %sub3A_106, %div3A_85 : i32
      %jit3A_108 = arith.constant 3 : i32
      %eq3A_109 = arith.constant 0 : i32
      %eq3A_110 = arith.cmpi eq, %jit3A_108, %eq3A_109 : i32
      %jit3A_111 = arith.constant 1 : i32
      %select_n3A_112 = arith.select %eq3A_110, %jit3A_111, %jit3A_108 : i32
      %rem3A_113 = arith.remsi %select_n3A, %select_n3A_112 : i32
      %ne3A_114 = arith.constant 0 : i32
      %ne3A_115 = arith.cmpi ne, %rem3A_113, %ne3A_114 : i32
      %lt3A_116 = arith.constant 0 : i32
      %lt3A_117 = arith.cmpi slt, %rem3A_113, %lt3A_116 : i32
      %lt3A_118 = arith.constant 0 : i32
      %lt3A_119 = arith.cmpi slt, %select_n3A_112, %lt3A_118 : i32
      %ne3A_120 = arith.xori %lt3A_117, %lt3A_119 : i1
      %and3A_121 = arith.andi %ne3A_120, %ne3A_115 : i1
      %add3A_122 = arith.addi %rem3A_113, %select_n3A_112 : i32
      %select_n3A_123 = arith.select %and3A_121, %add3A_122, %rem3A_113 : i32
      %sub3A_124 = arith.constant 1 : i32
      %sub3A_125 = arith.subi %select_n3A_107, %sub3A_124 : i32
      %add3A_126 = arith.addi %sub3A_125, %select_n3A_123 : i32
      %jit3A_127 = arith.constant 0 : i32
      %jit3A_128 = arith.constant 2 : i32
      %max3A = arith.maxsi %jit3A_127, %add3A_126 : i32
      %min3A = arith.minsi %jit3A_128, %max3A : i32
      %mul3A_129 = arith.constant 3 : i32
      %mul3A_130 = arith.muli %select_n3A_67, %mul3A_129 : i32
      %add3A_131 = arith.addi %mul3A_130, %min3A : i32
      %mul3A_132 = arith.constant 3 : i32
      %mul3A_133 = arith.muli %add3A_131, %mul3A_132 : i32
      %mul3A_134 = arith.constant 4096 : i32
      %mul3A_135 = arith.muli %mul3A_133, %mul3A_134 : i32
      %mul3A_136 = arith.constant 8192 : i32
      %mul3A_137 = arith.muli %add3A_11, %mul3A_136 : i32
      "tpu.region"() ({
        %run_scoped3A_155 = tpu.sem_alloc : memref<!tpu.dma_semaphore, #tpu.memory_space<semaphore_mem>>
        %dma_start3A = tpu.memref_slice %arg4[%mul3A_137] : memref<2359296xi32, #tpu.memory_space<hbm>> -> memref<8192xi32, #tpu.memory_space<hbm>>
        %dma_start3A_156 = tpu.memref_slice %arg4[%mul3A_137] : memref<2359296xi32, #tpu.memory_space<hbm>> -> memref<8192xi32, #tpu.memory_space<hbm>>
        tpu.enqueue_dma source(%dma_start3A_156 : memref<8192xi32, #tpu.memory_space<hbm>>) target(%arg8 : memref<8192xi32, #tpu.memory_space<vmem>>) target_semaphore(%run_scoped3A_155 : memref<!tpu.dma_semaphore, #tpu.memory_space<semaphore_mem>>)
        %dma_wait3A = tpu.memref_slice %arg4[%mul3A_137] : memref<2359296xi32, #tpu.memory_space<hbm>> -> memref<8192xi32, #tpu.memory_space<hbm>>
        %dma_wait3A_157 = tpu.memref_slice %arg4[%mul3A_137] : memref<2359296xi32, #tpu.memory_space<hbm>> -> memref<8192xi32, #tpu.memory_space<hbm>>
        tpu.wait_dma2 semaphore(%run_scoped3A_155 : memref<!tpu.dma_semaphore, #tpu.memory_space<semaphore_mem>>) src(%dma_wait3A_157 : memref<8192xi32, #tpu.memory_space<hbm>>) dst(%arg8 : memref<8192xi32, #tpu.memory_space<vmem>>)
        tpu.yield
      }) : () -> ()
      %add3A_138 = arith.constant 4096 : i32
      %add3A_139 = arith.addi %mul3A_135, %add3A_138 : i32
      %add3A_140 = arith.constant 8192 : i32
      %add3A_141 = arith.addi %mul3A_135, %add3A_140 : i32
      %mul3A_142 = arith.constant 3 : i32
      %mul3A_143 = arith.muli %select_n3A_67, %mul3A_142 : i32
      %add3A_144 = arith.addi %mul3A_143, %select_n3A_107 : i32
      %mul3A_145 = arith.constant 1024 : i32
      %mul3A_146 = arith.muli %add3A_144, %mul3A_145 : i32
      %scan3A_147 = arith.constant 0 : i32
      %scan3A_148 = arith.constant 64 : i32
      %scan3A_149 = arith.addi %scan3A_147, %scan3A_148 : i32
      %scan3A_150 = arith.constant 1 : i32
      scf.for %scan3A_155 = %scan3A_147 to %scan3A_149 step %scan3A_150  : i32 {
        %add3A_156 = arith.addi %mul3A_146, %mul3A_43 : i32
        %add3A_157 = arith.addi %add3A_156, %scan3A_155 : i32
        %mul3A_158 = arith.constant 3 : i32
        %mul3A_159 = arith.muli %add3A_157, %mul3A_158 : i32
        %broadcast_in_dim3A = vector.broadcast %mul3A_159 : i32 to vector<16xi32>
        %gather3A = tpu.vector_load_idx %arg7[%broadcast_in_dim3A] : memref<18432xf32, #tpu.memory_space<vmem>>[vector<16xi32>], vector<16xf32>,
        %add3A_160 = arith.constant 1 : i32
        %add3A_161 = arith.addi %mul3A_159, %add3A_160 : i32
        %broadcast_in_dim3A_162 = vector.broadcast %add3A_161 : i32 to vector<16xi32>
        %gather3A_163 = tpu.vector_load_idx %arg7[%broadcast_in_dim3A_162] : memref<18432xf32, #tpu.memory_space<vmem>>[vector<16xi32>], vector<16xf32>,
        %add3A_164 = arith.constant 2 : i32
        %add3A_165 = arith.addi %mul3A_159, %add3A_164 : i32
        %broadcast_in_dim3A_166 = vector.broadcast %add3A_165 : i32 to vector<16xi32>
        %gather3A_167 = tpu.vector_load_idx %arg7[%broadcast_in_dim3A_166] : memref<18432xf32, #tpu.memory_space<vmem>>[vector<16xi32>], vector<16xf32>,
        %mul3A_168 = arith.constant 128 : i32
        %mul3A_169 = arith.muli %scan3A_155, %mul3A_168 : i32
        %mul3A_170 = arith.constant 32 : i32
        %mul3A_171 = vector.broadcast %mul3A_170 : i32 to vector<16xi32>
        %mul3A_172 = arith.muli %iota3A, %mul3A_171 : vector<16xi32>
        %broadcast_in_dim3A_173 = arith.constant 0 : i32
        %broadcast_in_dim3A_174 = vector.broadcast %broadcast_in_dim3A_173 : i32 to vector<16xi32>
        %broadcast_in_dim3A_175 = arith.constant 4096 : i32
        %broadcast_in_dim3A_176 = vector.broadcast %broadcast_in_dim3A_175 : i32 to vector<16xi32>
        %while3A = arith.constant 0 : i32
        %while3A_177:3 = scf.while (%while3A_236 = %broadcast_in_dim3A_174, %while3A_237 = %while3A, %while3A_238 = %broadcast_in_dim3A_176) : (vector<16xi32>, i32, vector<16xi32>) -> (vector<16xi32>, i32, vector<16xi32>) {
          %lt3A_239 = arith.constant 32 : i32
          %lt3A_240 = vector.broadcast %lt3A_239 : i32 to vector<16xi32>
          %lt3A_241 = arith.cmpi slt, %while3A_236, %lt3A_240 : vector<16xi32>
          %reduce_and3A = arith.constant 1.000000e+00 : f32
          %reduce_and3A_242 = arith.constant 0.000000e+00 : f32
          %reduce_and3A_243 = vector.broadcast %reduce_and3A : f32 to vector<16xf32>
          %reduce_and3A_244 = vector.broadcast %reduce_and3A_242 : f32 to vector<16xf32>
          %reduce_and3A_245 = arith.select %lt3A_241, %reduce_and3A_243, %reduce_and3A_244 : vector<16xi1>, vector<16xf32>
          %reduce_and3A_246 = arith.constant true
          %reduce_and3A_247 = vector.broadcast %reduce_and3A_246 : i1 to vector<16xi1>
          %reduce_and3A_248 = tpu.scan <min>, %reduce_and3A_245 masked %reduce_and3A_247 : vector<16xf32>, vector<16xi1> -> vector<16xf32>
          %reduce_and3A_249 = vector.extract %reduce_and3A_248[15] : f32 from vector<16xf32>
          %reduce_and3A_250 = arith.constant 0.000000e+00 : f32
          %reduce_and3A_251 = arith.cmpf ogt, %reduce_and3A_249, %reduce_and3A_250 : f32
          %lt3A_252 = arith.constant 8 : i32
          %lt3A_253 = arith.cmpi slt, %while3A_237, %lt3A_252 : i32
          %and3A_254 = arith.andi %reduce_and3A_251, %lt3A_253 : i1
          scf.condition(%and3A_254) %while3A_236, %while3A_237, %while3A_238 : vector<16xi32>, i32, vector<16xi32>
        } do {
        ^bb0(%while3A_236: vector<16xi32>, %while3A_237: i32, %while3A_238: vector<16xi32>):
          %mul3A_239 = arith.constant 16 : i32
          %mul3A_240 = arith.muli %while3A_237, %mul3A_239 : i32
          %add3A_241 = arith.addi %mul3A_169, %mul3A_240 : i32
          %get3A_242 = arith.index_cast %add3A_241 : i32 to index
          %get3A_243 = tpu.vector_load %arg8[%get3A_242] {strides = array<i32>} : memref<8192xi32, #tpu.memory_space<vmem>>, vector<16xi32>,
          %bitcast3A = vector.bitcast %get3A_243 : vector<16xi32> to vector<16xi32>
          %shift_right_logical3A = arith.constant 1 : i32
          %shift_right_logical3A_244 = vector.broadcast %shift_right_logical3A : i32 to vector<16xi32>
          %shift_right_logical3A_245 = arith.shrui %bitcast3A, %shift_right_logical3A_244 : vector<16xi32>
          %and3A_246 = arith.constant 1431655765 : i32
          %and3A_247 = vector.broadcast %and3A_246 : i32 to vector<16xi32>
          %and3A_248 = arith.andi %shift_right_logical3A_245, %and3A_247 : vector<16xi32>
          %sub3A_249 = arith.subi %bitcast3A, %and3A_248 : vector<16xi32>
          %and3A_250 = arith.constant 858993459 : i32
          %and3A_251 = vector.broadcast %and3A_250 : i32 to vector<16xi32>
          %and3A_252 = arith.andi %sub3A_249, %and3A_251 : vector<16xi32>
          %shift_right_logical3A_253 = arith.constant 2 : i32
          %shift_right_logical3A_254 = vector.broadcast %shift_right_logical3A_253 : i32 to vector<16xi32>
          %shift_right_logical3A_255 = arith.shrui %sub3A_249, %shift_right_logical3A_254 : vector<16xi32>
          %and3A_256 = arith.constant 858993459 : i32
          %and3A_257 = vector.broadcast %and3A_256 : i32 to vector<16xi32>
          %and3A_258 = arith.andi %shift_right_logical3A_255, %and3A_257 : vector<16xi32>
          %add3A_259 = arith.addi %and3A_252, %and3A_258 : vector<16xi32>
          %shift_right_logical3A_260 = arith.constant 4 : i32
          %shift_right_logical3A_261 = vector.broadcast %shift_right_logical3A_260 : i32 to vector<16xi32>
          %shift_right_logical3A_262 = arith.shrui %add3A_259, %shift_right_logical3A_261 : vector<16xi32>
          %add3A_263 = arith.addi %add3A_259, %shift_right_logical3A_262 : vector<16xi32>
          %and3A_264 = arith.constant 252645135 : i32
          %and3A_265 = vector.broadcast %and3A_264 : i32 to vector<16xi32>
          %and3A_266 = arith.andi %add3A_263, %and3A_265 : vector<16xi32>
          %mul3A_267 = arith.constant 16843009 : i32
          %mul3A_268 = vector.broadcast %mul3A_267 : i32 to vector<16xi32>
          %mul3A_269 = arith.muli %and3A_266, %mul3A_268 : vector<16xi32>
          %shift_right_logical3A_270 = arith.constant 24 : i32
          %shift_right_logical3A_271 = vector.broadcast %shift_right_logical3A_270 : i32 to vector<16xi32>
          %shift_right_logical3A_272 = arith.shrui %mul3A_269, %shift_right_logical3A_271 : vector<16xi32>
          %bitcast3A_273 = vector.bitcast %shift_right_logical3A_272 : vector<16xi32> to vector<16xi32>
          %broadcast_in_dim3A_274 = arith.constant true
          %broadcast_in_dim3A_275 = vector.broadcast %broadcast_in_dim3A_274 : i1 to vector<16xi1>
          %masked_cumsum3A = tpu.scan <sum>, %bitcast3A_273 masked %broadcast_in_dim3A_275 : vector<16xi32>, vector<16xi1> -> vector<16xi32>
          %add3A_276 = arith.addi %while3A_236, %masked_cumsum3A : vector<16xi32>
          %sub3A_277 = arith.subi %add3A_276, %bitcast3A_273 : vector<16xi32>
          %mul3A_278 = arith.constant 512 : i32
          %mul3A_279 = arith.muli %while3A_237, %mul3A_278 : i32
          %add3A_280 = vector.broadcast %mul3A_279 : i32 to vector<16xi32>
          %add3A_281 = arith.addi %add3A_280, %mul3A_172 : vector<16xi32>
          %neg3A = arith.constant 0 : i32
          %neg3A_282 = vector.broadcast %neg3A : i32 to vector<16xi32>
          %neg3A_283 = arith.subi %neg3A_282, %get3A_243 : vector<16xi32>
          %and3A_284 = arith.andi %get3A_243, %neg3A_283 : vector<16xi32>
          %gt3A_285 = arith.constant 0 : i32
          %gt3A_286 = vector.broadcast %gt3A_285 : i32 to vector<16xi32>
          %gt3A_287 = arith.cmpi sgt, %bitcast3A_273, %gt3A_286 : vector<16xi32>
          %sub3A_288 = arith.constant 1 : i32
          %sub3A_289 = vector.broadcast %sub3A_288 : i32 to vector<16xi32>
          %sub3A_290 = arith.subi %and3A_284, %sub3A_289 : vector<16xi32>
          %bitcast3A_291 = vector.bitcast %sub3A_290 : vector<16xi32> to vector<16xi32>
          %shift_right_logical3A_292 = arith.constant 1 : i32
          %shift_right_logical3A_293 = vector.broadcast %shift_right_logical3A_292 : i32 to vector<16xi32>
          %shift_right_logical3A_294 = arith.shrui %bitcast3A_291, %shift_right_logical3A_293 : vector<16xi32>
          %and3A_295 = arith.constant 1431655765 : i32
          %and3A_296 = vector.broadcast %and3A_295 : i32 to vector<16xi32>
          %and3A_297 = arith.andi %shift_right_logical3A_294, %and3A_296 : vector<16xi32>
          %sub3A_298 = arith.subi %bitcast3A_291, %and3A_297 : vector<16xi32>
          %and3A_299 = arith.constant 858993459 : i32
          %and3A_300 = vector.broadcast %and3A_299 : i32 to vector<16xi32>
          %and3A_301 = arith.andi %sub3A_298, %and3A_300 : vector<16xi32>
          %shift_right_logical3A_302 = arith.constant 2 : i32
          %shift_right_logical3A_303 = vector.broadcast %shift_right_logical3A_302 : i32 to vector<16xi32>
          %shift_right_logical3A_304 = arith.shrui %sub3A_298, %shift_right_logical3A_303 : vector<16xi32>
          %and3A_305 = arith.constant 858993459 : i32
          %and3A_306 = vector.broadcast %and3A_305 : i32 to vector<16xi32>
          %and3A_307 = arith.andi %shift_right_logical3A_304, %and3A_306 : vector<16xi32>
          %add3A_308 = arith.addi %and3A_301, %and3A_307 : vector<16xi32>
          %shift_right_logical3A_309 = arith.constant 4 : i32
          %shift_right_logical3A_310 = vector.broadcast %shift_right_logical3A_309 : i32 to vector<16xi32>
          %shift_right_logical3A_311 = arith.shrui %add3A_308, %shift_right_logical3A_310 : vector<16xi32>
          %add3A_312 = arith.addi %add3A_308, %shift_right_logical3A_311 : vector<16xi32>
          %and3A_313 = arith.constant 252645135 : i32
          %and3A_314 = vector.broadcast %and3A_313 : i32 to vector<16xi32>
          %and3A_315 = arith.andi %add3A_312, %and3A_314 : vector<16xi32>
          %mul3A_316 = arith.constant 16843009 : i32
          %mul3A_317 = vector.broadcast %mul3A_316 : i32 to vector<16xi32>
          %mul3A_318 = arith.muli %and3A_315, %mul3A_317 : vector<16xi32>
          %shift_right_logical3A_319 = arith.constant 24 : i32
          %shift_right_logical3A_320 = vector.broadcast %shift_right_logical3A_319 : i32 to vector<16xi32>
          %shift_right_logical3A_321 = arith.shrui %mul3A_318, %shift_right_logical3A_320 : vector<16xi32>
          %bitcast3A_322 = vector.bitcast %shift_right_logical3A_321 : vector<16xi32> to vector<16xi32>
          %add3A_323 = arith.addi %add3A_281, %bitcast3A_322 : vector<16xi32>
          %jit3A_324 = arith.constant 4096 : i32
          %broadcast_in_dim3A_325 = vector.broadcast %jit3A_324 : i32 to vector<16xi32>
          %select_n3A_326 = arith.select %gt3A_287, %add3A_323, %broadcast_in_dim3A_325 : vector<16xi1>, vector<16xi32>
          %min3A_327 = arith.minsi %while3A_238, %select_n3A_326 : vector<16xi32>
          %sub3A_328 = arith.constant 32 : i32
          %sub3A_329 = vector.broadcast %sub3A_328 : i32 to vector<16xi32>
          %sub3A_330 = arith.subi %sub3A_329, %sub3A_277 : vector<16xi32>
          %min3A_331 = arith.minsi %bitcast3A_273, %sub3A_330 : vector<16xi32>
          %jit3A_332 = arith.constant 0 : i32
          %jit3A_333 = arith.constant 32 : i32
          %max3A_334 = vector.broadcast %jit3A_332 : i32 to vector<16xi32>
          %max3A_335 = arith.maxsi %max3A_334, %min3A_331 : vector<16xi32>
          %min3A_336 = vector.broadcast %jit3A_333 : i32 to vector<16xi32>
          %min3A_337 = arith.minsi %min3A_336, %max3A_335 : vector<16xi32>
          %reduce_max3A = arith.constant true
          %reduce_max3A_338 = vector.broadcast %reduce_max3A : i1 to vector<16xi1>
          %reduce_max3A_339 = arith.constant -2147483648 : i32
          %reduce_max3A_340 = vector.broadcast %reduce_max3A_339 : i32 to vector<16xi32>
          %reduce_max3A_341 = arith.xori %min3A_337, %reduce_max3A_340 : vector<16xi32>
          %reduce_max3A_342 = tpu.scan <max>, %reduce_max3A_341 masked %reduce_max3A_338 : vector<16xi32>, vector<16xi1> -> vector<16xi32>
          %reduce_max3A_343 = arith.xori %reduce_max3A_342, %reduce_max3A_340 : vector<16xi32>
          %reduce_max3A_344 = vector.extract %reduce_max3A_343[15] : i32 from vector<16xi32>
          %while3A_345 = arith.constant 0 : i32
          %while3A_346 = arith.subi %reduce_max3A_344, %while3A_345 : i32
          %while3A_347 = arith.addi %while3A_345, %while3A_346 : i32
          %while3A_348 = arith.constant 1 : i32
          %while3A_349 = arith.divsi %while3A_346, %while3A_348 : i32
          %while3A_350 = arith.muli %while3A_349, %while3A_348 : i32
          %while3A_351 = arith.addi %while3A_345, %while3A_350 : i32
          %while3A_352 = arith.constant 1 : i32
          %while3A_353:2 = scf.for %while3A_368 = %while3A_345 to %while3A_351 step %while3A_352 iter_args(%while3A_369 = %get3A_243, %while3A_370 = %sub3A_277) -> (vector<16xi32>, vector<16xi32>)  : i32 {
            %neg3A_371 = arith.constant 0 : i32
            %neg3A_372 = vector.broadcast %neg3A_371 : i32 to vector<16xi32>
            %neg3A_373 = arith.subi %neg3A_372, %while3A_369 : vector<16xi32>
            %and3A_374 = arith.andi %while3A_369, %neg3A_373 : vector<16xi32>
            %sub3A_375 = arith.constant 1 : i32
            %sub3A_376 = vector.broadcast %sub3A_375 : i32 to vector<16xi32>
            %sub3A_377 = arith.subi %and3A_374, %sub3A_376 : vector<16xi32>
            %bitcast3A_378 = vector.bitcast %sub3A_377 : vector<16xi32> to vector<16xi32>
            %shift_right_logical3A_379 = arith.constant 1 : i32
            %shift_right_logical3A_380 = vector.broadcast %shift_right_logical3A_379 : i32 to vector<16xi32>
            %shift_right_logical3A_381 = arith.shrui %bitcast3A_378, %shift_right_logical3A_380 : vector<16xi32>
            %and3A_382 = arith.constant 1431655765 : i32
            %and3A_383 = vector.broadcast %and3A_382 : i32 to vector<16xi32>
            %and3A_384 = arith.andi %shift_right_logical3A_381, %and3A_383 : vector<16xi32>
            %sub3A_385 = arith.subi %bitcast3A_378, %and3A_384 : vector<16xi32>
            %and3A_386 = arith.constant 858993459 : i32
            %and3A_387 = vector.broadcast %and3A_386 : i32 to vector<16xi32>
            %and3A_388 = arith.andi %sub3A_385, %and3A_387 : vector<16xi32>
            %shift_right_logical3A_389 = arith.constant 2 : i32
            %shift_right_logical3A_390 = vector.broadcast %shift_right_logical3A_389 : i32 to vector<16xi32>
            %shift_right_logical3A_391 = arith.shrui %sub3A_385, %shift_right_logical3A_390 : vector<16xi32>
            %and3A_392 = arith.constant 858993459 : i32
            %and3A_393 = vector.broadcast %and3A_392 : i32 to vector<16xi32>
            %and3A_394 = arith.andi %shift_right_logical3A_391, %and3A_393 : vector<16xi32>
            %add3A_395 = arith.addi %and3A_388, %and3A_394 : vector<16xi32>
            %shift_right_logical3A_396 = arith.constant 4 : i32
            %shift_right_logical3A_397 = vector.broadcast %shift_right_logical3A_396 : i32 to vector<16xi32>
            %shift_right_logical3A_398 = arith.shrui %add3A_395, %shift_right_logical3A_397 : vector<16xi32>
            %add3A_399 = arith.addi %add3A_395, %shift_right_logical3A_398 : vector<16xi32>
            %and3A_400 = arith.constant 252645135 : i32
            %and3A_401 = vector.broadcast %and3A_400 : i32 to vector<16xi32>
            %and3A_402 = arith.andi %add3A_399, %and3A_401 : vector<16xi32>
            %mul3A_403 = arith.constant 16843009 : i32
            %mul3A_404 = vector.broadcast %mul3A_403 : i32 to vector<16xi32>
            %mul3A_405 = arith.muli %and3A_402, %mul3A_404 : vector<16xi32>
            %shift_right_logical3A_406 = arith.constant 24 : i32
            %shift_right_logical3A_407 = vector.broadcast %shift_right_logical3A_406 : i32 to vector<16xi32>
            %shift_right_logical3A_408 = arith.shrui %mul3A_405, %shift_right_logical3A_407 : vector<16xi32>
            %bitcast3A_409 = vector.bitcast %shift_right_logical3A_408 : vector<16xi32> to vector<16xi32>
            %ne3A_410 = arith.constant 0 : i32
            %ne3A_411 = vector.broadcast %ne3A_410 : i32 to vector<16xi32>
            %ne3A_412 = arith.cmpi ne, %while3A_369, %ne3A_411 : vector<16xi32>
            %add3A_413 = arith.addi %add3A_281, %bitcast3A_409 : vector<16xi32>
            %lt3A_414 = arith.constant 32 : i32
            %lt3A_415 = vector.broadcast %lt3A_414 : i32 to vector<16xi32>
            %lt3A_416 = arith.cmpi slt, %while3A_370, %lt3A_415 : vector<16xi32>
            %and3A_417 = arith.andi %ne3A_412, %lt3A_416 : vector<16xi1>
            tpu.vector_store_idx %arg9[%while3A_370], %add3A_413 masked %and3A_417 : memref<64xi32, #tpu.memory_space<vmem>>[vector<16xi32>], vector<16xi32>, vector<16xi1>
            %sub3A_418 = arith.constant 1 : i32
            %sub3A_419 = vector.broadcast %sub3A_418 : i32 to vector<16xi32>
            %sub3A_420 = arith.subi %while3A_369, %sub3A_419 : vector<16xi32>
            %and3A_421 = arith.andi %while3A_369, %sub3A_420 : vector<16xi32>
            %convert_element_type3A = arith.extui %ne3A_412 : vector<16xi1> to vector<16xi32>
            %add3A_422 = arith.addi %while3A_370, %convert_element_type3A : vector<16xi32>
            scf.yield %and3A_421, %add3A_422 : vector<16xi32>, vector<16xi32>
          }
          %while3A_354 = arith.constant 1 : i32
          %while3A_355:2 = scf.for %while3A_368 = %while3A_351 to %while3A_347 step %while3A_354 iter_args(%while3A_369 = %while3A_353#0, %while3A_370 = %while3A_353#1) -> (vector<16xi32>, vector<16xi32>)  : i32 {
            %neg3A_371 = arith.constant 0 : i32
            %neg3A_372 = vector.broadcast %neg3A_371 : i32 to vector<16xi32>
            %neg3A_373 = arith.subi %neg3A_372, %while3A_369 : vector<16xi32>
            %and3A_374 = arith.andi %while3A_369, %neg3A_373 : vector<16xi32>
            %sub3A_375 = arith.constant 1 : i32
            %sub3A_376 = vector.broadcast %sub3A_375 : i32 to vector<16xi32>
            %sub3A_377 = arith.subi %and3A_374, %sub3A_376 : vector<16xi32>
            %bitcast3A_378 = vector.bitcast %sub3A_377 : vector<16xi32> to vector<16xi32>
            %shift_right_logical3A_379 = arith.constant 1 : i32
            %shift_right_logical3A_380 = vector.broadcast %shift_right_logical3A_379 : i32 to vector<16xi32>
            %shift_right_logical3A_381 = arith.shrui %bitcast3A_378, %shift_right_logical3A_380 : vector<16xi32>
            %and3A_382 = arith.constant 1431655765 : i32
            %and3A_383 = vector.broadcast %and3A_382 : i32 to vector<16xi32>
            %and3A_384 = arith.andi %shift_right_logical3A_381, %and3A_383 : vector<16xi32>
            %sub3A_385 = arith.subi %bitcast3A_378, %and3A_384 : vector<16xi32>
            %and3A_386 = arith.constant 858993459 : i32
            %and3A_387 = vector.broadcast %and3A_386 : i32 to vector<16xi32>
            %and3A_388 = arith.andi %sub3A_385, %and3A_387 : vector<16xi32>
            %shift_right_logical3A_389 = arith.constant 2 : i32
            %shift_right_logical3A_390 = vector.broadcast %shift_right_logical3A_389 : i32 to vector<16xi32>
            %shift_right_logical3A_391 = arith.shrui %sub3A_385, %shift_right_logical3A_390 : vector<16xi32>
            %and3A_392 = arith.constant 858993459 : i32
            %and3A_393 = vector.broadcast %and3A_392 : i32 to vector<16xi32>
            %and3A_394 = arith.andi %shift_right_logical3A_391, %and3A_393 : vector<16xi32>
            %add3A_395 = arith.addi %and3A_388, %and3A_394 : vector<16xi32>
            %shift_right_logical3A_396 = arith.constant 4 : i32
            %shift_right_logical3A_397 = vector.broadcast %shift_right_logical3A_396 : i32 to vector<16xi32>
            %shift_right_logical3A_398 = arith.shrui %add3A_395, %shift_right_logical3A_397 : vector<16xi32>
            %add3A_399 = arith.addi %add3A_395, %shift_right_logical3A_398 : vector<16xi32>
            %and3A_400 = arith.constant 252645135 : i32
            %and3A_401 = vector.broadcast %and3A_400 : i32 to vector<16xi32>
            %and3A_402 = arith.andi %add3A_399, %and3A_401 : vector<16xi32>
            %mul3A_403 = arith.constant 16843009 : i32
            %mul3A_404 = vector.broadcast %mul3A_403 : i32 to vector<16xi32>
            %mul3A_405 = arith.muli %and3A_402, %mul3A_404 : vector<16xi32>
            %shift_right_logical3A_406 = arith.constant 24 : i32
            %shift_right_logical3A_407 = vector.broadcast %shift_right_logical3A_406 : i32 to vector<16xi32>
            %shift_right_logical3A_408 = arith.shrui %mul3A_405, %shift_right_logical3A_407 : vector<16xi32>
            %bitcast3A_409 = vector.bitcast %shift_right_logical3A_408 : vector<16xi32> to vector<16xi32>
            %ne3A_410 = arith.constant 0 : i32
            %ne3A_411 = vector.broadcast %ne3A_410 : i32 to vector<16xi32>
            %ne3A_412 = arith.cmpi ne, %while3A_369, %ne3A_411 : vector<16xi32>
            %add3A_413 = arith.addi %add3A_281, %bitcast3A_409 : vector<16xi32>
            %lt3A_414 = arith.constant 32 : i32
            %lt3A_415 = vector.broadcast %lt3A_414 : i32 to vector<16xi32>
            %lt3A_416 = arith.cmpi slt, %while3A_370, %lt3A_415 : vector<16xi32>
            %and3A_417 = arith.andi %ne3A_412, %lt3A_416 : vector<16xi1>
            tpu.vector_store_idx %arg9[%while3A_370], %add3A_413 masked %and3A_417 : memref<64xi32, #tpu.memory_space<vmem>>[vector<16xi32>], vector<16xi32>, vector<16xi1>
            %sub3A_418 = arith.constant 1 : i32
            %sub3A_419 = vector.broadcast %sub3A_418 : i32 to vector<16xi32>
            %sub3A_420 = arith.subi %while3A_369, %sub3A_419 : vector<16xi32>
            %and3A_421 = arith.andi %while3A_369, %sub3A_420 : vector<16xi32>
            %convert_element_type3A = arith.extui %ne3A_412 : vector<16xi1> to vector<16xi32>
            %add3A_422 = arith.addi %while3A_370, %convert_element_type3A : vector<16xi32>
            scf.yield %and3A_421, %add3A_422 : vector<16xi32>, vector<16xi32>
          }
          %reduce_max3A_356 = arith.constant true
          %reduce_max3A_357 = vector.broadcast %reduce_max3A_356 : i1 to vector<16xi1>
          %reduce_max3A_358 = arith.constant -2147483648 : i32
          %reduce_max3A_359 = vector.broadcast %reduce_max3A_358 : i32 to vector<16xi32>
          %reduce_max3A_360 = arith.xori %masked_cumsum3A, %reduce_max3A_359 : vector<16xi32>
          %reduce_max3A_361 = tpu.scan <max>, %reduce_max3A_360 masked %reduce_max3A_357 : vector<16xi32>, vector<16xi1> -> vector<16xi32>
          %reduce_max3A_362 = arith.xori %reduce_max3A_361, %reduce_max3A_359 : vector<16xi32>
          %reduce_max3A_363 = vector.extract %reduce_max3A_362[15] : i32 from vector<16xi32>
          %add3A_364 = vector.broadcast %reduce_max3A_363 : i32 to vector<16xi32>
          %add3A_365 = arith.addi %while3A_236, %add3A_364 : vector<16xi32>
          %add3A_366 = arith.constant 1 : i32
          %add3A_367 = arith.addi %while3A_237, %add3A_366 : i32
          scf.yield %add3A_365, %add3A_367, %min3A_327 : vector<16xi32>, i32, vector<16xi32>
        }
        %gt3A = arith.constant 0 : i32
        %gt3A_178 = vector.broadcast %gt3A : i32 to vector<16xi32>
        %gt3A_179 = arith.cmpi sgt, %while3A_177#0, %gt3A_178 : vector<16xi32>
        %reduce_min3A = arith.constant true
        %reduce_min3A_180 = vector.broadcast %reduce_min3A : i1 to vector<16xi1>
        %reduce_min3A_181 = arith.constant -2147483648 : i32
        %reduce_min3A_182 = vector.broadcast %reduce_min3A_181 : i32 to vector<16xi32>
        %reduce_min3A_183 = arith.xori %while3A_177#2, %reduce_min3A_182 : vector<16xi32>
        %reduce_min3A_184 = tpu.scan <min>, %reduce_min3A_183 masked %reduce_min3A_180 : vector<16xi32>, vector<16xi1> -> vector<16xi32>
        %reduce_min3A_185 = arith.xori %reduce_min3A_184, %reduce_min3A_182 : vector<16xi32>
        %reduce_min3A_186 = vector.extract %reduce_min3A_185[15] : i32 from vector<16xi32>
        %broadcast_in_dim3A_187 = vector.broadcast %reduce_min3A_186 : i32 to vector<16xi32>
        %jit3A_188 = arith.constant 0 : i32
        %broadcast_in_dim3A_189 = vector.broadcast %jit3A_188 : i32 to vector<16xi32>
        %select_n3A_190 = arith.select %gt3A_179, %broadcast_in_dim3A_187, %broadcast_in_dim3A_189 : vector<16xi1>, vector<16xi32>
        %get3A = arith.constant 0 : index
        %get3A_191 = tpu.vector_load %arg9[%get3A] {strides = array<i32>} : memref<64xi32, #tpu.memory_space<vmem>>, vector<16xi32>,
        %add3A_192 = arith.constant 0 : i32
        %add3A_193 = vector.broadcast %add3A_192 : i32 to vector<16xi32>
        %add3A_194 = arith.addi %add3A_193, %iota3A : vector<16xi32>
        %lt3A_195 = arith.cmpi slt, %add3A_194, %while3A_177#0 : vector<16xi32>
        %select_n3A_196 = arith.select %lt3A_195, %get3A_191, %select_n3A_190 : vector<16xi1>, vector<16xi32>
        %add3A_197 = vector.broadcast %mul3A_135 : i32 to vector<16xi32>
        %add3A_198 = arith.addi %add3A_197, %select_n3A_196 : vector<16xi32>
        %gather3A_199 = tpu.vector_load_idx %arg6[%add3A_198] : memref<73728xf32, #tpu.memory_space<vmem>>[vector<16xi32>], vector<16xf32>,
        %add3A_200 = vector.broadcast %add3A_139 : i32 to vector<16xi32>
        %add3A_201 = arith.addi %add3A_200, %select_n3A_196 : vector<16xi32>
        %gather3A_202 = tpu.vector_load_idx %arg6[%add3A_201] : memref<73728xf32, #tpu.memory_space<vmem>>[vector<16xi32>], vector<16xf32>,
        %add3A_203 = vector.broadcast %add3A_141 : i32 to vector<16xi32>
        %add3A_204 = arith.addi %add3A_203, %select_n3A_196 : vector<16xi32>
        %gather3A_205 = tpu.vector_load_idx %arg6[%add3A_204] : memref<73728xf32, #tpu.memory_space<vmem>>[vector<16xi32>], vector<16xf32>,
        %add3A_206 = arith.constant 0 : i32
        %add3A_207 = vector.broadcast %add3A_206 : i32 to vector<16xi32>
        %add3A_208 = arith.addi %add3A_207, %iota3A : vector<16xi32>
        %broadcast_in_dim3A_209 = vector.broadcast %scan3A_155 : i32 to vector<16xi32>
        %sub3A_210 = arith.subf %gather3A_199, %gather3A : vector<16xf32>
        tpu.vector_store_idx %arg10[%add3A_208, %broadcast_in_dim3A_209], %sub3A_210 : memref<32x64xf32, #tpu.memory_space<vmem>>[vector<16xi32>, vector<16xi32>], vector<16xf32>,
        %sub3A_211 = arith.subf %gather3A_202, %gather3A_163 : vector<16xf32>
        tpu.vector_store_idx %arg11[%add3A_208, %broadcast_in_dim3A_209], %sub3A_211 : memref<32x64xf32, #tpu.memory_space<vmem>>[vector<16xi32>, vector<16xi32>], vector<16xf32>,
        %sub3A_212 = arith.subf %gather3A_205, %gather3A_167 : vector<16xf32>
        tpu.vector_store_idx %arg12[%add3A_208, %broadcast_in_dim3A_209], %sub3A_212 : memref<32x64xf32, #tpu.memory_space<vmem>>[vector<16xi32>, vector<16xi32>], vector<16xf32>,
        %get3A_213 = arith.constant 16 : index
        %get3A_214 = tpu.vector_load %arg9[%get3A_213] {strides = array<i32>} : memref<64xi32, #tpu.memory_space<vmem>>, vector<16xi32>,
        %add3A_215 = arith.constant 16 : i32
        %add3A_216 = vector.broadcast %add3A_215 : i32 to vector<16xi32>
        %add3A_217 = arith.addi %add3A_216, %iota3A : vector<16xi32>
        %lt3A_218 = arith.cmpi slt, %add3A_217, %while3A_177#0 : vector<16xi32>
        %select_n3A_219 = arith.select %lt3A_218, %get3A_214, %select_n3A_190 : vector<16xi1>, vector<16xi32>
        %add3A_220 = vector.broadcast %mul3A_135 : i32 to vector<16xi32>
        %add3A_221 = arith.addi %add3A_220, %select_n3A_219 : vector<16xi32>
        %gather3A_222 = tpu.vector_load_idx %arg6[%add3A_221] : memref<73728xf32, #tpu.memory_space<vmem>>[vector<16xi32>], vector<16xf32>,
        %add3A_223 = vector.broadcast %add3A_139 : i32 to vector<16xi32>
        %add3A_224 = arith.addi %add3A_223, %select_n3A_219 : vector<16xi32>
        %gather3A_225 = tpu.vector_load_idx %arg6[%add3A_224] : memref<73728xf32, #tpu.memory_space<vmem>>[vector<16xi32>], vector<16xf32>,
        %add3A_226 = vector.broadcast %add3A_141 : i32 to vector<16xi32>
        %add3A_227 = arith.addi %add3A_226, %select_n3A_219 : vector<16xi32>
        %gather3A_228 = tpu.vector_load_idx %arg6[%add3A_227] : memref<73728xf32, #tpu.memory_space<vmem>>[vector<16xi32>], vector<16xf32>,
        %add3A_229 = arith.constant 16 : i32
        %add3A_230 = vector.broadcast %add3A_229 : i32 to vector<16xi32>
        %add3A_231 = arith.addi %add3A_230, %iota3A : vector<16xi32>
        %broadcast_in_dim3A_232 = vector.broadcast %scan3A_155 : i32 to vector<16xi32>
        %sub3A_233 = arith.subf %gather3A_222, %gather3A : vector<16xf32>
        tpu.vector_store_idx %arg10[%add3A_231, %broadcast_in_dim3A_232], %sub3A_233 : memref<32x64xf32, #tpu.memory_space<vmem>>[vector<16xi32>, vector<16xi32>], vector<16xf32>,
        %sub3A_234 = arith.subf %gather3A_225, %gather3A_163 : vector<16xf32>
        tpu.vector_store_idx %arg11[%add3A_231, %broadcast_in_dim3A_232], %sub3A_234 : memref<32x64xf32, #tpu.memory_space<vmem>>[vector<16xi32>, vector<16xi32>], vector<16xf32>,
        %sub3A_235 = arith.subf %gather3A_228, %gather3A_167 : vector<16xf32>
        tpu.vector_store_idx %arg12[%add3A_231, %broadcast_in_dim3A_232], %sub3A_235 : memref<32x64xf32, #tpu.memory_space<vmem>>[vector<16xi32>, vector<16xi32>], vector<16xf32>,
      }
      %scan3A_151 = arith.constant 64 : i32
      %run_scoped3A = arith.constant 0 : i32
      "tpu.region"() ({
        %run_scoped3A_155 = tpu.sem_alloc : memref<!tpu.dma_semaphore, #tpu.memory_space<semaphore_mem>>
        %dma_start3A = arith.constant 0 : i32
        %dma_start3A_156 = arith.constant 0 : i32
        %dma_start3A_157 = tpu.memref_slice %arg5[%run_scoped3A, %dma_start3A, %add3A_11, %dma_start3A_156] : memref<3x32x288x64xf32, #tpu.memory_space<hbm>> -> memref<1x32x1x64xf32, #tpu.memory_space<hbm>>
        %dma_start3A_158 = tpu.memref_squeeze %dma_start3A_157 : memref<1x32x1x64xf32, #tpu.memory_space<hbm>> -> memref<32x64xf32, #tpu.memory_space<hbm>>
        %dma_start3A_159 = arith.constant 0 : i32
        %dma_start3A_160 = arith.constant 0 : i32
        %dma_start3A_161 = tpu.memref_slice %arg5[%run_scoped3A, %dma_start3A_159, %add3A_11, %dma_start3A_160] : memref<3x32x288x64xf32, #tpu.memory_space<hbm>> -> memref<1x32x1x64xf32, #tpu.memory_space<hbm>>
        %dma_start3A_162 = tpu.memref_squeeze %dma_start3A_161 : memref<1x32x1x64xf32, #tpu.memory_space<hbm>> -> memref<32x64xf32, #tpu.memory_space<hbm>>
        tpu.enqueue_dma source(%arg10 : memref<32x64xf32, #tpu.memory_space<vmem>>) target(%dma_start3A_162 : memref<32x64xf32, #tpu.memory_space<hbm>>) target_semaphore(%run_scoped3A_155 : memref<!tpu.dma_semaphore, #tpu.memory_space<semaphore_mem>>)
        %dma_wait3A = arith.constant 0 : i32
        %dma_wait3A_163 = arith.constant 0 : i32
        %dma_wait3A_164 = tpu.memref_slice %arg5[%run_scoped3A, %dma_wait3A, %add3A_11, %dma_wait3A_163] : memref<3x32x288x64xf32, #tpu.memory_space<hbm>> -> memref<1x32x1x64xf32, #tpu.memory_space<hbm>>
        %dma_wait3A_165 = tpu.memref_squeeze %dma_wait3A_164 : memref<1x32x1x64xf32, #tpu.memory_space<hbm>> -> memref<32x64xf32, #tpu.memory_space<hbm>>
        %dma_wait3A_166 = arith.constant 0 : i32
        %dma_wait3A_167 = arith.constant 0 : i32
        %dma_wait3A_168 = tpu.memref_slice %arg5[%run_scoped3A, %dma_wait3A_166, %add3A_11, %dma_wait3A_167] : memref<3x32x288x64xf32, #tpu.memory_space<hbm>> -> memref<1x32x1x64xf32, #tpu.memory_space<hbm>>
        %dma_wait3A_169 = tpu.memref_squeeze %dma_wait3A_168 : memref<1x32x1x64xf32, #tpu.memory_space<hbm>> -> memref<32x64xf32, #tpu.memory_space<hbm>>
        tpu.wait_dma2 semaphore(%run_scoped3A_155 : memref<!tpu.dma_semaphore, #tpu.memory_space<semaphore_mem>>) src(%arg10 : memref<32x64xf32, #tpu.memory_space<vmem>>) dst(%dma_wait3A_169 : memref<32x64xf32, #tpu.memory_space<hbm>>)
        tpu.yield
      }) : () -> ()
      %run_scoped3A_152 = arith.constant 1 : i32
      "tpu.region"() ({
        %run_scoped3A_155 = tpu.sem_alloc : memref<!tpu.dma_semaphore, #tpu.memory_space<semaphore_mem>>
        %dma_start3A = arith.constant 0 : i32
        %dma_start3A_156 = arith.constant 0 : i32
        %dma_start3A_157 = tpu.memref_slice %arg5[%run_scoped3A_152, %dma_start3A, %add3A_11, %dma_start3A_156] : memref<3x32x288x64xf32, #tpu.memory_space<hbm>> -> memref<1x32x1x64xf32, #tpu.memory_space<hbm>>
        %dma_start3A_158 = tpu.memref_squeeze %dma_start3A_157 : memref<1x32x1x64xf32, #tpu.memory_space<hbm>> -> memref<32x64xf32, #tpu.memory_space<hbm>>
        %dma_start3A_159 = arith.constant 0 : i32
        %dma_start3A_160 = arith.constant 0 : i32
        %dma_start3A_161 = tpu.memref_slice %arg5[%run_scoped3A_152, %dma_start3A_159, %add3A_11, %dma_start3A_160] : memref<3x32x288x64xf32, #tpu.memory_space<hbm>> -> memref<1x32x1x64xf32, #tpu.memory_space<hbm>>
        %dma_start3A_162 = tpu.memref_squeeze %dma_start3A_161 : memref<1x32x1x64xf32, #tpu.memory_space<hbm>> -> memref<32x64xf32, #tpu.memory_space<hbm>>
        tpu.enqueue_dma source(%arg11 : memref<32x64xf32, #tpu.memory_space<vmem>>) target(%dma_start3A_162 : memref<32x64xf32, #tpu.memory_space<hbm>>) target_semaphore(%run_scoped3A_155 : memref<!tpu.dma_semaphore, #tpu.memory_space<semaphore_mem>>)
        %dma_wait3A = arith.constant 0 : i32
        %dma_wait3A_163 = arith.constant 0 : i32
        %dma_wait3A_164 = tpu.memref_slice %arg5[%run_scoped3A_152, %dma_wait3A, %add3A_11, %dma_wait3A_163] : memref<3x32x288x64xf32, #tpu.memory_space<hbm>> -> memref<1x32x1x64xf32, #tpu.memory_space<hbm>>
        %dma_wait3A_165 = tpu.memref_squeeze %dma_wait3A_164 : memref<1x32x1x64xf32, #tpu.memory_space<hbm>> -> memref<32x64xf32, #tpu.memory_space<hbm>>
        %dma_wait3A_166 = arith.constant 0 : i32
        %dma_wait3A_167 = arith.constant 0 : i32
        %dma_wait3A_168 = tpu.memref_slice %arg5[%run_scoped3A_152, %dma_wait3A_166, %add3A_11, %dma_wait3A_167] : memref<3x32x288x64xf32, #tpu.memory_space<hbm>> -> memref<1x32x1x64xf32, #tpu.memory_space<hbm>>
        %dma_wait3A_169 = tpu.memref_squeeze %dma_wait3A_168 : memref<1x32x1x64xf32, #tpu.memory_space<hbm>> -> memref<32x64xf32, #tpu.memory_space<hbm>>
        tpu.wait_dma2 semaphore(%run_scoped3A_155 : memref<!tpu.dma_semaphore, #tpu.memory_space<semaphore_mem>>) src(%arg11 : memref<32x64xf32, #tpu.memory_space<vmem>>) dst(%dma_wait3A_169 : memref<32x64xf32, #tpu.memory_space<hbm>>)
        tpu.yield
      }) : () -> ()
      %run_scoped3A_153 = arith.constant 2 : i32
      "tpu.region"() ({
        %run_scoped3A_155 = tpu.sem_alloc : memref<!tpu.dma_semaphore, #tpu.memory_space<semaphore_mem>>
        %dma_start3A = arith.constant 0 : i32
        %dma_start3A_156 = arith.constant 0 : i32
        %dma_start3A_157 = tpu.memref_slice %arg5[%run_scoped3A_153, %dma_start3A, %add3A_11, %dma_start3A_156] : memref<3x32x288x64xf32, #tpu.memory_space<hbm>> -> memref<1x32x1x64xf32, #tpu.memory_space<hbm>>
        %dma_start3A_158 = tpu.memref_squeeze %dma_start3A_157 : memref<1x32x1x64xf32, #tpu.memory_space<hbm>> -> memref<32x64xf32, #tpu.memory_space<hbm>>
        %dma_start3A_159 = arith.constant 0 : i32
        %dma_start3A_160 = arith.constant 0 : i32
        %dma_start3A_161 = tpu.memref_slice %arg5[%run_scoped3A_153, %dma_start3A_159, %add3A_11, %dma_start3A_160] : memref<3x32x288x64xf32, #tpu.memory_space<hbm>> -> memref<1x32x1x64xf32, #tpu.memory_space<hbm>>
        %dma_start3A_162 = tpu.memref_squeeze %dma_start3A_161 : memref<1x32x1x64xf32, #tpu.memory_space<hbm>> -> memref<32x64xf32, #tpu.memory_space<hbm>>
        tpu.enqueue_dma source(%arg12 : memref<32x64xf32, #tpu.memory_space<vmem>>) target(%dma_start3A_162 : memref<32x64xf32, #tpu.memory_space<hbm>>) target_semaphore(%run_scoped3A_155 : memref<!tpu.dma_semaphore, #tpu.memory_space<semaphore_mem>>)
        %dma_wait3A = arith.constant 0 : i32
        %dma_wait3A_163 = arith.constant 0 : i32
        %dma_wait3A_164 = tpu.memref_slice %arg5[%run_scoped3A_153, %dma_wait3A, %add3A_11, %dma_wait3A_163] : memref<3x32x288x64xf32, #tpu.memory_space<hbm>> -> memref<1x32x1x64xf32, #tpu.memory_space<hbm>>
        %dma_wait3A_165 = tpu.memref_squeeze %dma_wait3A_164 : memref<1x32x1x64xf32, #tpu.memory_space<hbm>> -> memref<32x64xf32, #tpu.memory_space<hbm>>
        %dma_wait3A_166 = arith.constant 0 : i32
        %dma_wait3A_167 = arith.constant 0 : i32
        %dma_wait3A_168 = tpu.memref_slice %arg5[%run_scoped3A_153, %dma_wait3A_166, %add3A_11, %dma_wait3A_167] : memref<3x32x288x64xf32, #tpu.memory_space<hbm>> -> memref<1x32x1x64xf32, #tpu.memory_space<hbm>>
        %dma_wait3A_169 = tpu.memref_squeeze %dma_wait3A_168 : memref<1x32x1x64xf32, #tpu.memory_space<hbm>> -> memref<32x64xf32, #tpu.memory_space<hbm>>
        tpu.wait_dma2 semaphore(%run_scoped3A_155 : memref<!tpu.dma_semaphore, #tpu.memory_space<semaphore_mem>>) src(%arg12 : memref<32x64xf32, #tpu.memory_space<vmem>>) dst(%dma_wait3A_169 : memref<32x64xf32, #tpu.memory_space<hbm>>)
        tpu.yield
      }) : () -> ()
      %scan3A_154 = arith.constant 0 : i32
      scf.yield %scan3A_154 : i32
    }
    %scan3A_6 = arith.constant 9 : i32
    return
  }
}

module attributes {stable_mosaic.version = 14 : i64} {
  func.func @_fps_body(%arg0: memref<8x4096xf32, #tpu.memory_space<vmem>>, %arg1: memref<8x4096xf32, #tpu.memory_space<vmem>>, %arg2: memref<8x4096xf32, #tpu.memory_space<vmem>>, %arg3: memref<8x1024xf32, #tpu.memory_space<vmem>>, %arg4: memref<8x1024xf32, #tpu.memory_space<vmem>>, %arg5: memref<8x1024xf32, #tpu.memory_space<vmem>>) attributes {dimension_semantics = [], scalar_prefetch = 0 : i64, scratch_operands = 0 : i64, tpu.core_type = #tpu.core_type<tc>} {
    %get3A = arith.constant 0 : index
    %get3A_0 = arith.constant 0 : index
    %get3A_1 = vector.load %arg0[%get3A, %get3A_0] : memref<8x4096xf32, #tpu.memory_space<vmem>>, vector<8x4096xf32>
    %get3A_2 = arith.constant 0 : index
    %get3A_3 = arith.constant 0 : index
    %get3A_4 = vector.load %arg1[%get3A_2, %get3A_3] : memref<8x4096xf32, #tpu.memory_space<vmem>>, vector<8x4096xf32>
    %get3A_5 = arith.constant 0 : index
    %get3A_6 = arith.constant 0 : index
    %get3A_7 = vector.load %arg2[%get3A_5, %get3A_6] : memref<8x4096xf32, #tpu.memory_space<vmem>>, vector<8x4096xf32>
    %iota3A = tpu.iota {dimensions = array<i32: 1>} : vector<8x4096xi32>
    %iota3A_8 = tpu.iota {dimensions = array<i32: 1>} : vector<8x128xi32>
    %broadcast_in_dim3A = arith.constant 1.000000e+10 : f32
    %broadcast_in_dim3A_9 = vector.broadcast %broadcast_in_dim3A : f32 to vector<8x4096xf32>
    %slice3A = vector.extract_strided_slice %get3A_1 {offsets = [0, 0], sizes = [8, 1], strides = [1, 1]} : vector<8x4096xf32> to vector<8x1xf32>
    %slice3A_10 = vector.extract_strided_slice %get3A_4 {offsets = [0, 0], sizes = [8, 1], strides = [1, 1]} : vector<8x4096xf32> to vector<8x1xf32>
    %slice3A_11 = vector.extract_strided_slice %get3A_7 {offsets = [0, 0], sizes = [8, 1], strides = [1, 1]} : vector<8x4096xf32> to vector<8x1xf32>
    %broadcast_in_dim3A_12 = arith.constant 0.000000e+00 : f32
    %broadcast_in_dim3A_13 = vector.broadcast %broadcast_in_dim3A_12 : f32 to vector<8x4096xf32>
    %broadcast_in_dim3A_14 = arith.constant 0.000000e+00 : f32
    %broadcast_in_dim3A_15 = vector.broadcast %broadcast_in_dim3A_14 : f32 to vector<8x128xf32>
    %scan3A = arith.constant 0 : i32
    %scan3A_16 = arith.constant 128 : i32
    %scan3A_17 = arith.addi %scan3A, %scan3A_16 : i32
    %scan3A_18 = arith.constant 1 : i32
    %scan3A_19:7 = scf.for %scan3A_148 = %scan3A to %scan3A_17 step %scan3A_18 iter_args(%scan3A_149 = %broadcast_in_dim3A_9, %scan3A_150 = %slice3A, %scan3A_151 = %slice3A_10, %scan3A_152 = %slice3A_11, %scan3A_153 = %broadcast_in_dim3A_15, %scan3A_154 = %broadcast_in_dim3A_15, %scan3A_155 = %broadcast_in_dim3A_15) -> (vector<8x4096xf32>, vector<8x1xf32>, vector<8x1xf32>, vector<8x1xf32>, vector<8x128xf32>, vector<8x128xf32>, vector<8x128xf32>)  : i32 {
      %eq3A = vector.broadcast %scan3A_148 : i32 to vector<8x128xi32>
      %eq3A_156 = arith.cmpi eq, %iota3A_8, %eq3A : vector<8x128xi32>
      %broadcast_in_dim3A_157 = vector.shape_cast %scan3A_150 : vector<8x1xf32> to vector<8x1xf32>
      %broadcast_in_dim3A_158 = vector.broadcast %broadcast_in_dim3A_157 : vector<8x1xf32> to vector<8x128xf32>
      %select_n3A = arith.select %eq3A_156, %broadcast_in_dim3A_158, %scan3A_153 : vector<8x128xi1>, vector<8x128xf32>
      %eq3A_159 = vector.broadcast %scan3A_148 : i32 to vector<8x128xi32>
      %eq3A_160 = arith.cmpi eq, %iota3A_8, %eq3A_159 : vector<8x128xi32>
      %broadcast_in_dim3A_161 = vector.shape_cast %scan3A_151 : vector<8x1xf32> to vector<8x1xf32>
      %broadcast_in_dim3A_162 = vector.broadcast %broadcast_in_dim3A_161 : vector<8x1xf32> to vector<8x128xf32>
      %select_n3A_163 = arith.select %eq3A_160, %broadcast_in_dim3A_162, %scan3A_154 : vector<8x128xi1>, vector<8x128xf32>
      %eq3A_164 = vector.broadcast %scan3A_148 : i32 to vector<8x128xi32>
      %eq3A_165 = arith.cmpi eq, %iota3A_8, %eq3A_164 : vector<8x128xi32>
      %broadcast_in_dim3A_166 = vector.shape_cast %scan3A_152 : vector<8x1xf32> to vector<8x1xf32>
      %broadcast_in_dim3A_167 = vector.broadcast %broadcast_in_dim3A_166 : vector<8x1xf32> to vector<8x128xf32>
      %select_n3A_168 = arith.select %eq3A_165, %broadcast_in_dim3A_167, %scan3A_155 : vector<8x128xi1>, vector<8x128xf32>
      %sub3A = vector.broadcast %scan3A_150 : vector<8x1xf32> to vector<8x4096xf32>
      %sub3A_169 = arith.subf %get3A_1, %sub3A : vector<8x4096xf32>
      %sub3A_170 = vector.broadcast %scan3A_151 : vector<8x1xf32> to vector<8x4096xf32>
      %sub3A_171 = arith.subf %get3A_4, %sub3A_170 : vector<8x4096xf32>
      %sub3A_172 = vector.broadcast %scan3A_152 : vector<8x1xf32> to vector<8x4096xf32>
      %sub3A_173 = arith.subf %get3A_7, %sub3A_172 : vector<8x4096xf32>
      %mul3A = arith.mulf %sub3A_169, %sub3A_169 : vector<8x4096xf32>
      %mul3A_174 = arith.mulf %sub3A_171, %sub3A_171 : vector<8x4096xf32>
      %add3A = arith.addf %mul3A, %mul3A_174 : vector<8x4096xf32>
      %mul3A_175 = arith.mulf %sub3A_173, %sub3A_173 : vector<8x4096xf32>
      %add3A_176 = arith.addf %add3A, %mul3A_175 : vector<8x4096xf32>
      %min3A = arith.minimumf %scan3A_149, %add3A_176 : vector<8x4096xf32>
      %reduce_max3A = arith.constant dense<0xFF800000> : vector<8xf32>
      %reduce_max3A_177 = vector.multi_reduction <maximumf>, %min3A, %reduce_max3A [1] : vector<8x4096xf32> to vector<8xf32>
      %broadcast_in_dim3A_178 = vector.shape_cast %reduce_max3A_177 : vector<8xf32> to vector<8x1xf32>
      %eq3A_179 = vector.broadcast %broadcast_in_dim3A_178 : vector<8x1xf32> to vector<8x4096xf32>
      %eq3A_180 = arith.cmpf oeq, %min3A, %eq3A_179 : vector<8x4096xf32>
      %jit3A = arith.constant 4096 : i32
      %broadcast_in_dim3A_181 = vector.broadcast %jit3A : i32 to vector<8x4096xi32>
      %select_n3A_182 = arith.select %eq3A_180, %iota3A, %broadcast_in_dim3A_181 : vector<8x4096xi1>, vector<8x4096xi32>
      %reduce_min3A = arith.constant dense<2147483647> : vector<8xi32>
      %reduce_min3A_183 = vector.multi_reduction <minsi>, %select_n3A_182, %reduce_min3A [1] : vector<8x4096xi32> to vector<8xi32>
      %broadcast_in_dim3A_184 = vector.shape_cast %reduce_min3A_183 : vector<8xi32> to vector<8x1xi32>
      %eq3A_185 = vector.broadcast %broadcast_in_dim3A_184 : vector<8x1xi32> to vector<8x4096xi32>
      %eq3A_186 = arith.cmpi eq, %iota3A, %eq3A_185 : vector<8x4096xi32>
      %select_n3A_187 = arith.select %eq3A_186, %get3A_1, %broadcast_in_dim3A_13 : vector<8x4096xi1>, vector<8x4096xf32>
      %reduce_sum3A = arith.constant dense<0.000000e+00> : vector<8xf32>
      %reduce_sum3A_188 = vector.multi_reduction <add>, %select_n3A_187, %reduce_sum3A [1] : vector<8x4096xf32> to vector<8xf32>
      %broadcast_in_dim3A_189 = vector.shape_cast %reduce_sum3A_188 : vector<8xf32> to vector<8x1xf32>
      %select_n3A_190 = arith.select %eq3A_186, %get3A_4, %broadcast_in_dim3A_13 : vector<8x4096xi1>, vector<8x4096xf32>
      %reduce_sum3A_191 = arith.constant dense<0.000000e+00> : vector<8xf32>
      %reduce_sum3A_192 = vector.multi_reduction <add>, %select_n3A_190, %reduce_sum3A_191 [1] : vector<8x4096xf32> to vector<8xf32>
      %broadcast_in_dim3A_193 = vector.shape_cast %reduce_sum3A_192 : vector<8xf32> to vector<8x1xf32>
      %select_n3A_194 = arith.select %eq3A_186, %get3A_7, %broadcast_in_dim3A_13 : vector<8x4096xi1>, vector<8x4096xf32>
      %reduce_sum3A_195 = arith.constant dense<0.000000e+00> : vector<8xf32>
      %reduce_sum3A_196 = vector.multi_reduction <add>, %select_n3A_194, %reduce_sum3A_195 [1] : vector<8x4096xf32> to vector<8xf32>
      %broadcast_in_dim3A_197 = vector.shape_cast %reduce_sum3A_196 : vector<8xf32> to vector<8x1xf32>
      scf.yield %min3A, %broadcast_in_dim3A_189, %broadcast_in_dim3A_193, %broadcast_in_dim3A_197, %select_n3A, %select_n3A_163, %select_n3A_168 : vector<8x4096xf32>, vector<8x1xf32>, vector<8x1xf32>, vector<8x1xf32>, vector<8x128xf32>, vector<8x128xf32>, vector<8x128xf32>
    }
    %scan3A_20 = arith.constant 128 : i32
    %swap3A = arith.constant 0 : index
    %swap3A_21 = arith.constant 0 : index
    %swap3A_22 = vector.load %arg3[%swap3A, %swap3A_21] : memref<8x1024xf32, #tpu.memory_space<vmem>>, vector<8x128xf32>
    tpu.vector_store %arg3[%swap3A, %swap3A_21], %scan3A_19#4 {strides = array<i32>} : memref<8x1024xf32, #tpu.memory_space<vmem>>, vector<8x128xf32>,
    %swap3A_23 = arith.constant 0 : index
    %swap3A_24 = arith.constant 0 : index
    %swap3A_25 = vector.load %arg4[%swap3A_23, %swap3A_24] : memref<8x1024xf32, #tpu.memory_space<vmem>>, vector<8x128xf32>
    tpu.vector_store %arg4[%swap3A_23, %swap3A_24], %scan3A_19#5 {strides = array<i32>} : memref<8x1024xf32, #tpu.memory_space<vmem>>, vector<8x128xf32>,
    %swap3A_26 = arith.constant 0 : index
    %swap3A_27 = arith.constant 0 : index
    %swap3A_28 = vector.load %arg5[%swap3A_26, %swap3A_27] : memref<8x1024xf32, #tpu.memory_space<vmem>>, vector<8x128xf32>
    tpu.vector_store %arg5[%swap3A_26, %swap3A_27], %scan3A_19#6 {strides = array<i32>} : memref<8x1024xf32, #tpu.memory_space<vmem>>, vector<8x128xf32>,
    %broadcast_in_dim3A_29 = arith.constant 0.000000e+00 : f32
    %broadcast_in_dim3A_30 = vector.broadcast %broadcast_in_dim3A_29 : f32 to vector<8x128xf32>
    %scan3A_31 = arith.constant 0 : i32
    %scan3A_32 = arith.constant 128 : i32
    %scan3A_33 = arith.addi %scan3A_31, %scan3A_32 : i32
    %scan3A_34 = arith.constant 1 : i32
    %scan3A_35:7 = scf.for %scan3A_148 = %scan3A_31 to %scan3A_33 step %scan3A_34 iter_args(%scan3A_149 = %scan3A_19#0, %scan3A_150 = %scan3A_19#1, %scan3A_151 = %scan3A_19#2, %scan3A_152 = %scan3A_19#3, %scan3A_153 = %broadcast_in_dim3A_30, %scan3A_154 = %broadcast_in_dim3A_30, %scan3A_155 = %broadcast_in_dim3A_30) -> (vector<8x4096xf32>, vector<8x1xf32>, vector<8x1xf32>, vector<8x1xf32>, vector<8x128xf32>, vector<8x128xf32>, vector<8x128xf32>)  : i32 {
      %eq3A = vector.broadcast %scan3A_148 : i32 to vector<8x128xi32>
      %eq3A_156 = arith.cmpi eq, %iota3A_8, %eq3A : vector<8x128xi32>
      %broadcast_in_dim3A_157 = vector.shape_cast %scan3A_150 : vector<8x1xf32> to vector<8x1xf32>
      %broadcast_in_dim3A_158 = vector.broadcast %broadcast_in_dim3A_157 : vector<8x1xf32> to vector<8x128xf32>
      %select_n3A = arith.select %eq3A_156, %broadcast_in_dim3A_158, %scan3A_153 : vector<8x128xi1>, vector<8x128xf32>
      %eq3A_159 = vector.broadcast %scan3A_148 : i32 to vector<8x128xi32>
      %eq3A_160 = arith.cmpi eq, %iota3A_8, %eq3A_159 : vector<8x128xi32>
      %broadcast_in_dim3A_161 = vector.shape_cast %scan3A_151 : vector<8x1xf32> to vector<8x1xf32>
      %broadcast_in_dim3A_162 = vector.broadcast %broadcast_in_dim3A_161 : vector<8x1xf32> to vector<8x128xf32>
      %select_n3A_163 = arith.select %eq3A_160, %broadcast_in_dim3A_162, %scan3A_154 : vector<8x128xi1>, vector<8x128xf32>
      %eq3A_164 = vector.broadcast %scan3A_148 : i32 to vector<8x128xi32>
      %eq3A_165 = arith.cmpi eq, %iota3A_8, %eq3A_164 : vector<8x128xi32>
      %broadcast_in_dim3A_166 = vector.shape_cast %scan3A_152 : vector<8x1xf32> to vector<8x1xf32>
      %broadcast_in_dim3A_167 = vector.broadcast %broadcast_in_dim3A_166 : vector<8x1xf32> to vector<8x128xf32>
      %select_n3A_168 = arith.select %eq3A_165, %broadcast_in_dim3A_167, %scan3A_155 : vector<8x128xi1>, vector<8x128xf32>
      %sub3A = vector.broadcast %scan3A_150 : vector<8x1xf32> to vector<8x4096xf32>
      %sub3A_169 = arith.subf %get3A_1, %sub3A : vector<8x4096xf32>
      %sub3A_170 = vector.broadcast %scan3A_151 : vector<8x1xf32> to vector<8x4096xf32>
      %sub3A_171 = arith.subf %get3A_4, %sub3A_170 : vector<8x4096xf32>
      %sub3A_172 = vector.broadcast %scan3A_152 : vector<8x1xf32> to vector<8x4096xf32>
      %sub3A_173 = arith.subf %get3A_7, %sub3A_172 : vector<8x4096xf32>
      %mul3A = arith.mulf %sub3A_169, %sub3A_169 : vector<8x4096xf32>
      %mul3A_174 = arith.mulf %sub3A_171, %sub3A_171 : vector<8x4096xf32>
      %add3A = arith.addf %mul3A, %mul3A_174 : vector<8x4096xf32>
      %mul3A_175 = arith.mulf %sub3A_173, %sub3A_173 : vector<8x4096xf32>
      %add3A_176 = arith.addf %add3A, %mul3A_175 : vector<8x4096xf32>
      %min3A = arith.minimumf %scan3A_149, %add3A_176 : vector<8x4096xf32>
      %reduce_max3A = arith.constant dense<0xFF800000> : vector<8xf32>
      %reduce_max3A_177 = vector.multi_reduction <maximumf>, %min3A, %reduce_max3A [1] : vector<8x4096xf32> to vector<8xf32>
      %broadcast_in_dim3A_178 = vector.shape_cast %reduce_max3A_177 : vector<8xf32> to vector<8x1xf32>
      %eq3A_179 = vector.broadcast %broadcast_in_dim3A_178 : vector<8x1xf32> to vector<8x4096xf32>
      %eq3A_180 = arith.cmpf oeq, %min3A, %eq3A_179 : vector<8x4096xf32>
      %jit3A = arith.constant 4096 : i32
      %broadcast_in_dim3A_181 = vector.broadcast %jit3A : i32 to vector<8x4096xi32>
      %select_n3A_182 = arith.select %eq3A_180, %iota3A, %broadcast_in_dim3A_181 : vector<8x4096xi1>, vector<8x4096xi32>
      %reduce_min3A = arith.constant dense<2147483647> : vector<8xi32>
      %reduce_min3A_183 = vector.multi_reduction <minsi>, %select_n3A_182, %reduce_min3A [1] : vector<8x4096xi32> to vector<8xi32>
      %broadcast_in_dim3A_184 = vector.shape_cast %reduce_min3A_183 : vector<8xi32> to vector<8x1xi32>
      %eq3A_185 = vector.broadcast %broadcast_in_dim3A_184 : vector<8x1xi32> to vector<8x4096xi32>
      %eq3A_186 = arith.cmpi eq, %iota3A, %eq3A_185 : vector<8x4096xi32>
      %select_n3A_187 = arith.select %eq3A_186, %get3A_1, %broadcast_in_dim3A_13 : vector<8x4096xi1>, vector<8x4096xf32>
      %reduce_sum3A = arith.constant dense<0.000000e+00> : vector<8xf32>
      %reduce_sum3A_188 = vector.multi_reduction <add>, %select_n3A_187, %reduce_sum3A [1] : vector<8x4096xf32> to vector<8xf32>
      %broadcast_in_dim3A_189 = vector.shape_cast %reduce_sum3A_188 : vector<8xf32> to vector<8x1xf32>
      %select_n3A_190 = arith.select %eq3A_186, %get3A_4, %broadcast_in_dim3A_13 : vector<8x4096xi1>, vector<8x4096xf32>
      %reduce_sum3A_191 = arith.constant dense<0.000000e+00> : vector<8xf32>
      %reduce_sum3A_192 = vector.multi_reduction <add>, %select_n3A_190, %reduce_sum3A_191 [1] : vector<8x4096xf32> to vector<8xf32>
      %broadcast_in_dim3A_193 = vector.shape_cast %reduce_sum3A_192 : vector<8xf32> to vector<8x1xf32>
      %select_n3A_194 = arith.select %eq3A_186, %get3A_7, %broadcast_in_dim3A_13 : vector<8x4096xi1>, vector<8x4096xf32>
      %reduce_sum3A_195 = arith.constant dense<0.000000e+00> : vector<8xf32>
      %reduce_sum3A_196 = vector.multi_reduction <add>, %select_n3A_194, %reduce_sum3A_195 [1] : vector<8x4096xf32> to vector<8xf32>
      %broadcast_in_dim3A_197 = vector.shape_cast %reduce_sum3A_196 : vector<8xf32> to vector<8x1xf32>
      scf.yield %min3A, %broadcast_in_dim3A_189, %broadcast_in_dim3A_193, %broadcast_in_dim3A_197, %select_n3A, %select_n3A_163, %select_n3A_168 : vector<8x4096xf32>, vector<8x1xf32>, vector<8x1xf32>, vector<8x1xf32>, vector<8x128xf32>, vector<8x128xf32>, vector<8x128xf32>
    }
    %scan3A_36 = arith.constant 128 : i32
    %swap3A_37 = arith.constant 0 : index
    %swap3A_38 = arith.constant 128 : index
    %swap3A_39 = vector.load %arg3[%swap3A_37, %swap3A_38] : memref<8x1024xf32, #tpu.memory_space<vmem>>, vector<8x128xf32>
    tpu.vector_store %arg3[%swap3A_37, %swap3A_38], %scan3A_35#4 {strides = array<i32>} : memref<8x1024xf32, #tpu.memory_space<vmem>>, vector<8x128xf32>,
    %swap3A_40 = arith.constant 0 : index
    %swap3A_41 = arith.constant 128 : index
    %swap3A_42 = vector.load %arg4[%swap3A_40, %swap3A_41] : memref<8x1024xf32, #tpu.memory_space<vmem>>, vector<8x128xf32>
    tpu.vector_store %arg4[%swap3A_40, %swap3A_41], %scan3A_35#5 {strides = array<i32>} : memref<8x1024xf32, #tpu.memory_space<vmem>>, vector<8x128xf32>,
    %swap3A_43 = arith.constant 0 : index
    %swap3A_44 = arith.constant 128 : index
    %swap3A_45 = vector.load %arg5[%swap3A_43, %swap3A_44] : memref<8x1024xf32, #tpu.memory_space<vmem>>, vector<8x128xf32>
    tpu.vector_store %arg5[%swap3A_43, %swap3A_44], %scan3A_35#6 {strides = array<i32>} : memref<8x1024xf32, #tpu.memory_space<vmem>>, vector<8x128xf32>,
    %broadcast_in_dim3A_46 = arith.constant 0.000000e+00 : f32
    %broadcast_in_dim3A_47 = vector.broadcast %broadcast_in_dim3A_46 : f32 to vector<8x128xf32>
    %scan3A_48 = arith.constant 0 : i32
    %scan3A_49 = arith.constant 128 : i32
    %scan3A_50 = arith.addi %scan3A_48, %scan3A_49 : i32
    %scan3A_51 = arith.constant 1 : i32
    %scan3A_52:7 = scf.for %scan3A_148 = %scan3A_48 to %scan3A_50 step %scan3A_51 iter_args(%scan3A_149 = %scan3A_35#0, %scan3A_150 = %scan3A_35#1, %scan3A_151 = %scan3A_35#2, %scan3A_152 = %scan3A_35#3, %scan3A_153 = %broadcast_in_dim3A_47, %scan3A_154 = %broadcast_in_dim3A_47, %scan3A_155 = %broadcast_in_dim3A_47) -> (vector<8x4096xf32>, vector<8x1xf32>, vector<8x1xf32>, vector<8x1xf32>, vector<8x128xf32>, vector<8x128xf32>, vector<8x128xf32>)  : i32 {
      %eq3A = vector.broadcast %scan3A_148 : i32 to vector<8x128xi32>
      %eq3A_156 = arith.cmpi eq, %iota3A_8, %eq3A : vector<8x128xi32>
      %broadcast_in_dim3A_157 = vector.shape_cast %scan3A_150 : vector<8x1xf32> to vector<8x1xf32>
      %broadcast_in_dim3A_158 = vector.broadcast %broadcast_in_dim3A_157 : vector<8x1xf32> to vector<8x128xf32>
      %select_n3A = arith.select %eq3A_156, %broadcast_in_dim3A_158, %scan3A_153 : vector<8x128xi1>, vector<8x128xf32>
      %eq3A_159 = vector.broadcast %scan3A_148 : i32 to vector<8x128xi32>
      %eq3A_160 = arith.cmpi eq, %iota3A_8, %eq3A_159 : vector<8x128xi32>
      %broadcast_in_dim3A_161 = vector.shape_cast %scan3A_151 : vector<8x1xf32> to vector<8x1xf32>
      %broadcast_in_dim3A_162 = vector.broadcast %broadcast_in_dim3A_161 : vector<8x1xf32> to vector<8x128xf32>
      %select_n3A_163 = arith.select %eq3A_160, %broadcast_in_dim3A_162, %scan3A_154 : vector<8x128xi1>, vector<8x128xf32>
      %eq3A_164 = vector.broadcast %scan3A_148 : i32 to vector<8x128xi32>
      %eq3A_165 = arith.cmpi eq, %iota3A_8, %eq3A_164 : vector<8x128xi32>
      %broadcast_in_dim3A_166 = vector.shape_cast %scan3A_152 : vector<8x1xf32> to vector<8x1xf32>
      %broadcast_in_dim3A_167 = vector.broadcast %broadcast_in_dim3A_166 : vector<8x1xf32> to vector<8x128xf32>
      %select_n3A_168 = arith.select %eq3A_165, %broadcast_in_dim3A_167, %scan3A_155 : vector<8x128xi1>, vector<8x128xf32>
      %sub3A = vector.broadcast %scan3A_150 : vector<8x1xf32> to vector<8x4096xf32>
      %sub3A_169 = arith.subf %get3A_1, %sub3A : vector<8x4096xf32>
      %sub3A_170 = vector.broadcast %scan3A_151 : vector<8x1xf32> to vector<8x4096xf32>
      %sub3A_171 = arith.subf %get3A_4, %sub3A_170 : vector<8x4096xf32>
      %sub3A_172 = vector.broadcast %scan3A_152 : vector<8x1xf32> to vector<8x4096xf32>
      %sub3A_173 = arith.subf %get3A_7, %sub3A_172 : vector<8x4096xf32>
      %mul3A = arith.mulf %sub3A_169, %sub3A_169 : vector<8x4096xf32>
      %mul3A_174 = arith.mulf %sub3A_171, %sub3A_171 : vector<8x4096xf32>
      %add3A = arith.addf %mul3A, %mul3A_174 : vector<8x4096xf32>
      %mul3A_175 = arith.mulf %sub3A_173, %sub3A_173 : vector<8x4096xf32>
      %add3A_176 = arith.addf %add3A, %mul3A_175 : vector<8x4096xf32>
      %min3A = arith.minimumf %scan3A_149, %add3A_176 : vector<8x4096xf32>
      %reduce_max3A = arith.constant dense<0xFF800000> : vector<8xf32>
      %reduce_max3A_177 = vector.multi_reduction <maximumf>, %min3A, %reduce_max3A [1] : vector<8x4096xf32> to vector<8xf32>
      %broadcast_in_dim3A_178 = vector.shape_cast %reduce_max3A_177 : vector<8xf32> to vector<8x1xf32>
      %eq3A_179 = vector.broadcast %broadcast_in_dim3A_178 : vector<8x1xf32> to vector<8x4096xf32>
      %eq3A_180 = arith.cmpf oeq, %min3A, %eq3A_179 : vector<8x4096xf32>
      %jit3A = arith.constant 4096 : i32
      %broadcast_in_dim3A_181 = vector.broadcast %jit3A : i32 to vector<8x4096xi32>
      %select_n3A_182 = arith.select %eq3A_180, %iota3A, %broadcast_in_dim3A_181 : vector<8x4096xi1>, vector<8x4096xi32>
      %reduce_min3A = arith.constant dense<2147483647> : vector<8xi32>
      %reduce_min3A_183 = vector.multi_reduction <minsi>, %select_n3A_182, %reduce_min3A [1] : vector<8x4096xi32> to vector<8xi32>
      %broadcast_in_dim3A_184 = vector.shape_cast %reduce_min3A_183 : vector<8xi32> to vector<8x1xi32>
      %eq3A_185 = vector.broadcast %broadcast_in_dim3A_184 : vector<8x1xi32> to vector<8x4096xi32>
      %eq3A_186 = arith.cmpi eq, %iota3A, %eq3A_185 : vector<8x4096xi32>
      %select_n3A_187 = arith.select %eq3A_186, %get3A_1, %broadcast_in_dim3A_13 : vector<8x4096xi1>, vector<8x4096xf32>
      %reduce_sum3A = arith.constant dense<0.000000e+00> : vector<8xf32>
      %reduce_sum3A_188 = vector.multi_reduction <add>, %select_n3A_187, %reduce_sum3A [1] : vector<8x4096xf32> to vector<8xf32>
      %broadcast_in_dim3A_189 = vector.shape_cast %reduce_sum3A_188 : vector<8xf32> to vector<8x1xf32>
      %select_n3A_190 = arith.select %eq3A_186, %get3A_4, %broadcast_in_dim3A_13 : vector<8x4096xi1>, vector<8x4096xf32>
      %reduce_sum3A_191 = arith.constant dense<0.000000e+00> : vector<8xf32>
      %reduce_sum3A_192 = vector.multi_reduction <add>, %select_n3A_190, %reduce_sum3A_191 [1] : vector<8x4096xf32> to vector<8xf32>
      %broadcast_in_dim3A_193 = vector.shape_cast %reduce_sum3A_192 : vector<8xf32> to vector<8x1xf32>
      %select_n3A_194 = arith.select %eq3A_186, %get3A_7, %broadcast_in_dim3A_13 : vector<8x4096xi1>, vector<8x4096xf32>
      %reduce_sum3A_195 = arith.constant dense<0.000000e+00> : vector<8xf32>
      %reduce_sum3A_196 = vector.multi_reduction <add>, %select_n3A_194, %reduce_sum3A_195 [1] : vector<8x4096xf32> to vector<8xf32>
      %broadcast_in_dim3A_197 = vector.shape_cast %reduce_sum3A_196 : vector<8xf32> to vector<8x1xf32>
      scf.yield %min3A, %broadcast_in_dim3A_189, %broadcast_in_dim3A_193, %broadcast_in_dim3A_197, %select_n3A, %select_n3A_163, %select_n3A_168 : vector<8x4096xf32>, vector<8x1xf32>, vector<8x1xf32>, vector<8x1xf32>, vector<8x128xf32>, vector<8x128xf32>, vector<8x128xf32>
    }
    %scan3A_53 = arith.constant 128 : i32
    %swap3A_54 = arith.constant 0 : index
    %swap3A_55 = arith.constant 256 : index
    %swap3A_56 = vector.load %arg3[%swap3A_54, %swap3A_55] : memref<8x1024xf32, #tpu.memory_space<vmem>>, vector<8x128xf32>
    tpu.vector_store %arg3[%swap3A_54, %swap3A_55], %scan3A_52#4 {strides = array<i32>} : memref<8x1024xf32, #tpu.memory_space<vmem>>, vector<8x128xf32>,
    %swap3A_57 = arith.constant 0 : index
    %swap3A_58 = arith.constant 256 : index
    %swap3A_59 = vector.load %arg4[%swap3A_57, %swap3A_58] : memref<8x1024xf32, #tpu.memory_space<vmem>>, vector<8x128xf32>
    tpu.vector_store %arg4[%swap3A_57, %swap3A_58], %scan3A_52#5 {strides = array<i32>} : memref<8x1024xf32, #tpu.memory_space<vmem>>, vector<8x128xf32>,
    %swap3A_60 = arith.constant 0 : index
    %swap3A_61 = arith.constant 256 : index
    %swap3A_62 = vector.load %arg5[%swap3A_60, %swap3A_61] : memref<8x1024xf32, #tpu.memory_space<vmem>>, vector<8x128xf32>
    tpu.vector_store %arg5[%swap3A_60, %swap3A_61], %scan3A_52#6 {strides = array<i32>} : memref<8x1024xf32, #tpu.memory_space<vmem>>, vector<8x128xf32>,
    %broadcast_in_dim3A_63 = arith.constant 0.000000e+00 : f32
    %broadcast_in_dim3A_64 = vector.broadcast %broadcast_in_dim3A_63 : f32 to vector<8x128xf32>
    %scan3A_65 = arith.constant 0 : i32
    %scan3A_66 = arith.constant 128 : i32
    %scan3A_67 = arith.addi %scan3A_65, %scan3A_66 : i32
    %scan3A_68 = arith.constant 1 : i32
    %scan3A_69:7 = scf.for %scan3A_148 = %scan3A_65 to %scan3A_67 step %scan3A_68 iter_args(%scan3A_149 = %scan3A_52#0, %scan3A_150 = %scan3A_52#1, %scan3A_151 = %scan3A_52#2, %scan3A_152 = %scan3A_52#3, %scan3A_153 = %broadcast_in_dim3A_64, %scan3A_154 = %broadcast_in_dim3A_64, %scan3A_155 = %broadcast_in_dim3A_64) -> (vector<8x4096xf32>, vector<8x1xf32>, vector<8x1xf32>, vector<8x1xf32>, vector<8x128xf32>, vector<8x128xf32>, vector<8x128xf32>)  : i32 {
      %eq3A = vector.broadcast %scan3A_148 : i32 to vector<8x128xi32>
      %eq3A_156 = arith.cmpi eq, %iota3A_8, %eq3A : vector<8x128xi32>
      %broadcast_in_dim3A_157 = vector.shape_cast %scan3A_150 : vector<8x1xf32> to vector<8x1xf32>
      %broadcast_in_dim3A_158 = vector.broadcast %broadcast_in_dim3A_157 : vector<8x1xf32> to vector<8x128xf32>
      %select_n3A = arith.select %eq3A_156, %broadcast_in_dim3A_158, %scan3A_153 : vector<8x128xi1>, vector<8x128xf32>
      %eq3A_159 = vector.broadcast %scan3A_148 : i32 to vector<8x128xi32>
      %eq3A_160 = arith.cmpi eq, %iota3A_8, %eq3A_159 : vector<8x128xi32>
      %broadcast_in_dim3A_161 = vector.shape_cast %scan3A_151 : vector<8x1xf32> to vector<8x1xf32>
      %broadcast_in_dim3A_162 = vector.broadcast %broadcast_in_dim3A_161 : vector<8x1xf32> to vector<8x128xf32>
      %select_n3A_163 = arith.select %eq3A_160, %broadcast_in_dim3A_162, %scan3A_154 : vector<8x128xi1>, vector<8x128xf32>
      %eq3A_164 = vector.broadcast %scan3A_148 : i32 to vector<8x128xi32>
      %eq3A_165 = arith.cmpi eq, %iota3A_8, %eq3A_164 : vector<8x128xi32>
      %broadcast_in_dim3A_166 = vector.shape_cast %scan3A_152 : vector<8x1xf32> to vector<8x1xf32>
      %broadcast_in_dim3A_167 = vector.broadcast %broadcast_in_dim3A_166 : vector<8x1xf32> to vector<8x128xf32>
      %select_n3A_168 = arith.select %eq3A_165, %broadcast_in_dim3A_167, %scan3A_155 : vector<8x128xi1>, vector<8x128xf32>
      %sub3A = vector.broadcast %scan3A_150 : vector<8x1xf32> to vector<8x4096xf32>
      %sub3A_169 = arith.subf %get3A_1, %sub3A : vector<8x4096xf32>
      %sub3A_170 = vector.broadcast %scan3A_151 : vector<8x1xf32> to vector<8x4096xf32>
      %sub3A_171 = arith.subf %get3A_4, %sub3A_170 : vector<8x4096xf32>
      %sub3A_172 = vector.broadcast %scan3A_152 : vector<8x1xf32> to vector<8x4096xf32>
      %sub3A_173 = arith.subf %get3A_7, %sub3A_172 : vector<8x4096xf32>
      %mul3A = arith.mulf %sub3A_169, %sub3A_169 : vector<8x4096xf32>
      %mul3A_174 = arith.mulf %sub3A_171, %sub3A_171 : vector<8x4096xf32>
      %add3A = arith.addf %mul3A, %mul3A_174 : vector<8x4096xf32>
      %mul3A_175 = arith.mulf %sub3A_173, %sub3A_173 : vector<8x4096xf32>
      %add3A_176 = arith.addf %add3A, %mul3A_175 : vector<8x4096xf32>
      %min3A = arith.minimumf %scan3A_149, %add3A_176 : vector<8x4096xf32>
      %reduce_max3A = arith.constant dense<0xFF800000> : vector<8xf32>
      %reduce_max3A_177 = vector.multi_reduction <maximumf>, %min3A, %reduce_max3A [1] : vector<8x4096xf32> to vector<8xf32>
      %broadcast_in_dim3A_178 = vector.shape_cast %reduce_max3A_177 : vector<8xf32> to vector<8x1xf32>
      %eq3A_179 = vector.broadcast %broadcast_in_dim3A_178 : vector<8x1xf32> to vector<8x4096xf32>
      %eq3A_180 = arith.cmpf oeq, %min3A, %eq3A_179 : vector<8x4096xf32>
      %jit3A = arith.constant 4096 : i32
      %broadcast_in_dim3A_181 = vector.broadcast %jit3A : i32 to vector<8x4096xi32>
      %select_n3A_182 = arith.select %eq3A_180, %iota3A, %broadcast_in_dim3A_181 : vector<8x4096xi1>, vector<8x4096xi32>
      %reduce_min3A = arith.constant dense<2147483647> : vector<8xi32>
      %reduce_min3A_183 = vector.multi_reduction <minsi>, %select_n3A_182, %reduce_min3A [1] : vector<8x4096xi32> to vector<8xi32>
      %broadcast_in_dim3A_184 = vector.shape_cast %reduce_min3A_183 : vector<8xi32> to vector<8x1xi32>
      %eq3A_185 = vector.broadcast %broadcast_in_dim3A_184 : vector<8x1xi32> to vector<8x4096xi32>
      %eq3A_186 = arith.cmpi eq, %iota3A, %eq3A_185 : vector<8x4096xi32>
      %select_n3A_187 = arith.select %eq3A_186, %get3A_1, %broadcast_in_dim3A_13 : vector<8x4096xi1>, vector<8x4096xf32>
      %reduce_sum3A = arith.constant dense<0.000000e+00> : vector<8xf32>
      %reduce_sum3A_188 = vector.multi_reduction <add>, %select_n3A_187, %reduce_sum3A [1] : vector<8x4096xf32> to vector<8xf32>
      %broadcast_in_dim3A_189 = vector.shape_cast %reduce_sum3A_188 : vector<8xf32> to vector<8x1xf32>
      %select_n3A_190 = arith.select %eq3A_186, %get3A_4, %broadcast_in_dim3A_13 : vector<8x4096xi1>, vector<8x4096xf32>
      %reduce_sum3A_191 = arith.constant dense<0.000000e+00> : vector<8xf32>
      %reduce_sum3A_192 = vector.multi_reduction <add>, %select_n3A_190, %reduce_sum3A_191 [1] : vector<8x4096xf32> to vector<8xf32>
      %broadcast_in_dim3A_193 = vector.shape_cast %reduce_sum3A_192 : vector<8xf32> to vector<8x1xf32>
      %select_n3A_194 = arith.select %eq3A_186, %get3A_7, %broadcast_in_dim3A_13 : vector<8x4096xi1>, vector<8x4096xf32>
      %reduce_sum3A_195 = arith.constant dense<0.000000e+00> : vector<8xf32>
      %reduce_sum3A_196 = vector.multi_reduction <add>, %select_n3A_194, %reduce_sum3A_195 [1] : vector<8x4096xf32> to vector<8xf32>
      %broadcast_in_dim3A_197 = vector.shape_cast %reduce_sum3A_196 : vector<8xf32> to vector<8x1xf32>
      scf.yield %min3A, %broadcast_in_dim3A_189, %broadcast_in_dim3A_193, %broadcast_in_dim3A_197, %select_n3A, %select_n3A_163, %select_n3A_168 : vector<8x4096xf32>, vector<8x1xf32>, vector<8x1xf32>, vector<8x1xf32>, vector<8x128xf32>, vector<8x128xf32>, vector<8x128xf32>
    }
    %scan3A_70 = arith.constant 128 : i32
    %swap3A_71 = arith.constant 0 : index
    %swap3A_72 = arith.constant 384 : index
    %swap3A_73 = vector.load %arg3[%swap3A_71, %swap3A_72] : memref<8x1024xf32, #tpu.memory_space<vmem>>, vector<8x128xf32>
    tpu.vector_store %arg3[%swap3A_71, %swap3A_72], %scan3A_69#4 {strides = array<i32>} : memref<8x1024xf32, #tpu.memory_space<vmem>>, vector<8x128xf32>,
    %swap3A_74 = arith.constant 0 : index
    %swap3A_75 = arith.constant 384 : index
    %swap3A_76 = vector.load %arg4[%swap3A_74, %swap3A_75] : memref<8x1024xf32, #tpu.memory_space<vmem>>, vector<8x128xf32>
    tpu.vector_store %arg4[%swap3A_74, %swap3A_75], %scan3A_69#5 {strides = array<i32>} : memref<8x1024xf32, #tpu.memory_space<vmem>>, vector<8x128xf32>,
    %swap3A_77 = arith.constant 0 : index
    %swap3A_78 = arith.constant 384 : index
    %swap3A_79 = vector.load %arg5[%swap3A_77, %swap3A_78] : memref<8x1024xf32, #tpu.memory_space<vmem>>, vector<8x128xf32>
    tpu.vector_store %arg5[%swap3A_77, %swap3A_78], %scan3A_69#6 {strides = array<i32>} : memref<8x1024xf32, #tpu.memory_space<vmem>>, vector<8x128xf32>,
    %broadcast_in_dim3A_80 = arith.constant 0.000000e+00 : f32
    %broadcast_in_dim3A_81 = vector.broadcast %broadcast_in_dim3A_80 : f32 to vector<8x128xf32>
    %scan3A_82 = arith.constant 0 : i32
    %scan3A_83 = arith.constant 128 : i32
    %scan3A_84 = arith.addi %scan3A_82, %scan3A_83 : i32
    %scan3A_85 = arith.constant 1 : i32
    %scan3A_86:7 = scf.for %scan3A_148 = %scan3A_82 to %scan3A_84 step %scan3A_85 iter_args(%scan3A_149 = %scan3A_69#0, %scan3A_150 = %scan3A_69#1, %scan3A_151 = %scan3A_69#2, %scan3A_152 = %scan3A_69#3, %scan3A_153 = %broadcast_in_dim3A_81, %scan3A_154 = %broadcast_in_dim3A_81, %scan3A_155 = %broadcast_in_dim3A_81) -> (vector<8x4096xf32>, vector<8x1xf32>, vector<8x1xf32>, vector<8x1xf32>, vector<8x128xf32>, vector<8x128xf32>, vector<8x128xf32>)  : i32 {
      %eq3A = vector.broadcast %scan3A_148 : i32 to vector<8x128xi32>
      %eq3A_156 = arith.cmpi eq, %iota3A_8, %eq3A : vector<8x128xi32>
      %broadcast_in_dim3A_157 = vector.shape_cast %scan3A_150 : vector<8x1xf32> to vector<8x1xf32>
      %broadcast_in_dim3A_158 = vector.broadcast %broadcast_in_dim3A_157 : vector<8x1xf32> to vector<8x128xf32>
      %select_n3A = arith.select %eq3A_156, %broadcast_in_dim3A_158, %scan3A_153 : vector<8x128xi1>, vector<8x128xf32>
      %eq3A_159 = vector.broadcast %scan3A_148 : i32 to vector<8x128xi32>
      %eq3A_160 = arith.cmpi eq, %iota3A_8, %eq3A_159 : vector<8x128xi32>
      %broadcast_in_dim3A_161 = vector.shape_cast %scan3A_151 : vector<8x1xf32> to vector<8x1xf32>
      %broadcast_in_dim3A_162 = vector.broadcast %broadcast_in_dim3A_161 : vector<8x1xf32> to vector<8x128xf32>
      %select_n3A_163 = arith.select %eq3A_160, %broadcast_in_dim3A_162, %scan3A_154 : vector<8x128xi1>, vector<8x128xf32>
      %eq3A_164 = vector.broadcast %scan3A_148 : i32 to vector<8x128xi32>
      %eq3A_165 = arith.cmpi eq, %iota3A_8, %eq3A_164 : vector<8x128xi32>
      %broadcast_in_dim3A_166 = vector.shape_cast %scan3A_152 : vector<8x1xf32> to vector<8x1xf32>
      %broadcast_in_dim3A_167 = vector.broadcast %broadcast_in_dim3A_166 : vector<8x1xf32> to vector<8x128xf32>
      %select_n3A_168 = arith.select %eq3A_165, %broadcast_in_dim3A_167, %scan3A_155 : vector<8x128xi1>, vector<8x128xf32>
      %sub3A = vector.broadcast %scan3A_150 : vector<8x1xf32> to vector<8x4096xf32>
      %sub3A_169 = arith.subf %get3A_1, %sub3A : vector<8x4096xf32>
      %sub3A_170 = vector.broadcast %scan3A_151 : vector<8x1xf32> to vector<8x4096xf32>
      %sub3A_171 = arith.subf %get3A_4, %sub3A_170 : vector<8x4096xf32>
      %sub3A_172 = vector.broadcast %scan3A_152 : vector<8x1xf32> to vector<8x4096xf32>
      %sub3A_173 = arith.subf %get3A_7, %sub3A_172 : vector<8x4096xf32>
      %mul3A = arith.mulf %sub3A_169, %sub3A_169 : vector<8x4096xf32>
      %mul3A_174 = arith.mulf %sub3A_171, %sub3A_171 : vector<8x4096xf32>
      %add3A = arith.addf %mul3A, %mul3A_174 : vector<8x4096xf32>
      %mul3A_175 = arith.mulf %sub3A_173, %sub3A_173 : vector<8x4096xf32>
      %add3A_176 = arith.addf %add3A, %mul3A_175 : vector<8x4096xf32>
      %min3A = arith.minimumf %scan3A_149, %add3A_176 : vector<8x4096xf32>
      %reduce_max3A = arith.constant dense<0xFF800000> : vector<8xf32>
      %reduce_max3A_177 = vector.multi_reduction <maximumf>, %min3A, %reduce_max3A [1] : vector<8x4096xf32> to vector<8xf32>
      %broadcast_in_dim3A_178 = vector.shape_cast %reduce_max3A_177 : vector<8xf32> to vector<8x1xf32>
      %eq3A_179 = vector.broadcast %broadcast_in_dim3A_178 : vector<8x1xf32> to vector<8x4096xf32>
      %eq3A_180 = arith.cmpf oeq, %min3A, %eq3A_179 : vector<8x4096xf32>
      %jit3A = arith.constant 4096 : i32
      %broadcast_in_dim3A_181 = vector.broadcast %jit3A : i32 to vector<8x4096xi32>
      %select_n3A_182 = arith.select %eq3A_180, %iota3A, %broadcast_in_dim3A_181 : vector<8x4096xi1>, vector<8x4096xi32>
      %reduce_min3A = arith.constant dense<2147483647> : vector<8xi32>
      %reduce_min3A_183 = vector.multi_reduction <minsi>, %select_n3A_182, %reduce_min3A [1] : vector<8x4096xi32> to vector<8xi32>
      %broadcast_in_dim3A_184 = vector.shape_cast %reduce_min3A_183 : vector<8xi32> to vector<8x1xi32>
      %eq3A_185 = vector.broadcast %broadcast_in_dim3A_184 : vector<8x1xi32> to vector<8x4096xi32>
      %eq3A_186 = arith.cmpi eq, %iota3A, %eq3A_185 : vector<8x4096xi32>
      %select_n3A_187 = arith.select %eq3A_186, %get3A_1, %broadcast_in_dim3A_13 : vector<8x4096xi1>, vector<8x4096xf32>
      %reduce_sum3A = arith.constant dense<0.000000e+00> : vector<8xf32>
      %reduce_sum3A_188 = vector.multi_reduction <add>, %select_n3A_187, %reduce_sum3A [1] : vector<8x4096xf32> to vector<8xf32>
      %broadcast_in_dim3A_189 = vector.shape_cast %reduce_sum3A_188 : vector<8xf32> to vector<8x1xf32>
      %select_n3A_190 = arith.select %eq3A_186, %get3A_4, %broadcast_in_dim3A_13 : vector<8x4096xi1>, vector<8x4096xf32>
      %reduce_sum3A_191 = arith.constant dense<0.000000e+00> : vector<8xf32>
      %reduce_sum3A_192 = vector.multi_reduction <add>, %select_n3A_190, %reduce_sum3A_191 [1] : vector<8x4096xf32> to vector<8xf32>
      %broadcast_in_dim3A_193 = vector.shape_cast %reduce_sum3A_192 : vector<8xf32> to vector<8x1xf32>
      %select_n3A_194 = arith.select %eq3A_186, %get3A_7, %broadcast_in_dim3A_13 : vector<8x4096xi1>, vector<8x4096xf32>
      %reduce_sum3A_195 = arith.constant dense<0.000000e+00> : vector<8xf32>
      %reduce_sum3A_196 = vector.multi_reduction <add>, %select_n3A_194, %reduce_sum3A_195 [1] : vector<8x4096xf32> to vector<8xf32>
      %broadcast_in_dim3A_197 = vector.shape_cast %reduce_sum3A_196 : vector<8xf32> to vector<8x1xf32>
      scf.yield %min3A, %broadcast_in_dim3A_189, %broadcast_in_dim3A_193, %broadcast_in_dim3A_197, %select_n3A, %select_n3A_163, %select_n3A_168 : vector<8x4096xf32>, vector<8x1xf32>, vector<8x1xf32>, vector<8x1xf32>, vector<8x128xf32>, vector<8x128xf32>, vector<8x128xf32>
    }
    %scan3A_87 = arith.constant 128 : i32
    %swap3A_88 = arith.constant 0 : index
    %swap3A_89 = arith.constant 512 : index
    %swap3A_90 = vector.load %arg3[%swap3A_88, %swap3A_89] : memref<8x1024xf32, #tpu.memory_space<vmem>>, vector<8x128xf32>
    tpu.vector_store %arg3[%swap3A_88, %swap3A_89], %scan3A_86#4 {strides = array<i32>} : memref<8x1024xf32, #tpu.memory_space<vmem>>, vector<8x128xf32>,
    %swap3A_91 = arith.constant 0 : index
    %swap3A_92 = arith.constant 512 : index
    %swap3A_93 = vector.load %arg4[%swap3A_91, %swap3A_92] : memref<8x1024xf32, #tpu.memory_space<vmem>>, vector<8x128xf32>
    tpu.vector_store %arg4[%swap3A_91, %swap3A_92], %scan3A_86#5 {strides = array<i32>} : memref<8x1024xf32, #tpu.memory_space<vmem>>, vector<8x128xf32>,
    %swap3A_94 = arith.constant 0 : index
    %swap3A_95 = arith.constant 512 : index
    %swap3A_96 = vector.load %arg5[%swap3A_94, %swap3A_95] : memref<8x1024xf32, #tpu.memory_space<vmem>>, vector<8x128xf32>
    tpu.vector_store %arg5[%swap3A_94, %swap3A_95], %scan3A_86#6 {strides = array<i32>} : memref<8x1024xf32, #tpu.memory_space<vmem>>, vector<8x128xf32>,
    %broadcast_in_dim3A_97 = arith.constant 0.000000e+00 : f32
    %broadcast_in_dim3A_98 = vector.broadcast %broadcast_in_dim3A_97 : f32 to vector<8x128xf32>
    %scan3A_99 = arith.constant 0 : i32
    %scan3A_100 = arith.constant 128 : i32
    %scan3A_101 = arith.addi %scan3A_99, %scan3A_100 : i32
    %scan3A_102 = arith.constant 1 : i32
    %scan3A_103:7 = scf.for %scan3A_148 = %scan3A_99 to %scan3A_101 step %scan3A_102 iter_args(%scan3A_149 = %scan3A_86#0, %scan3A_150 = %scan3A_86#1, %scan3A_151 = %scan3A_86#2, %scan3A_152 = %scan3A_86#3, %scan3A_153 = %broadcast_in_dim3A_98, %scan3A_154 = %broadcast_in_dim3A_98, %scan3A_155 = %broadcast_in_dim3A_98) -> (vector<8x4096xf32>, vector<8x1xf32>, vector<8x1xf32>, vector<8x1xf32>, vector<8x128xf32>, vector<8x128xf32>, vector<8x128xf32>)  : i32 {
      %eq3A = vector.broadcast %scan3A_148 : i32 to vector<8x128xi32>
      %eq3A_156 = arith.cmpi eq, %iota3A_8, %eq3A : vector<8x128xi32>
      %broadcast_in_dim3A_157 = vector.shape_cast %scan3A_150 : vector<8x1xf32> to vector<8x1xf32>
      %broadcast_in_dim3A_158 = vector.broadcast %broadcast_in_dim3A_157 : vector<8x1xf32> to vector<8x128xf32>
      %select_n3A = arith.select %eq3A_156, %broadcast_in_dim3A_158, %scan3A_153 : vector<8x128xi1>, vector<8x128xf32>
      %eq3A_159 = vector.broadcast %scan3A_148 : i32 to vector<8x128xi32>
      %eq3A_160 = arith.cmpi eq, %iota3A_8, %eq3A_159 : vector<8x128xi32>
      %broadcast_in_dim3A_161 = vector.shape_cast %scan3A_151 : vector<8x1xf32> to vector<8x1xf32>
      %broadcast_in_dim3A_162 = vector.broadcast %broadcast_in_dim3A_161 : vector<8x1xf32> to vector<8x128xf32>
      %select_n3A_163 = arith.select %eq3A_160, %broadcast_in_dim3A_162, %scan3A_154 : vector<8x128xi1>, vector<8x128xf32>
      %eq3A_164 = vector.broadcast %scan3A_148 : i32 to vector<8x128xi32>
      %eq3A_165 = arith.cmpi eq, %iota3A_8, %eq3A_164 : vector<8x128xi32>
      %broadcast_in_dim3A_166 = vector.shape_cast %scan3A_152 : vector<8x1xf32> to vector<8x1xf32>
      %broadcast_in_dim3A_167 = vector.broadcast %broadcast_in_dim3A_166 : vector<8x1xf32> to vector<8x128xf32>
      %select_n3A_168 = arith.select %eq3A_165, %broadcast_in_dim3A_167, %scan3A_155 : vector<8x128xi1>, vector<8x128xf32>
      %sub3A = vector.broadcast %scan3A_150 : vector<8x1xf32> to vector<8x4096xf32>
      %sub3A_169 = arith.subf %get3A_1, %sub3A : vector<8x4096xf32>
      %sub3A_170 = vector.broadcast %scan3A_151 : vector<8x1xf32> to vector<8x4096xf32>
      %sub3A_171 = arith.subf %get3A_4, %sub3A_170 : vector<8x4096xf32>
      %sub3A_172 = vector.broadcast %scan3A_152 : vector<8x1xf32> to vector<8x4096xf32>
      %sub3A_173 = arith.subf %get3A_7, %sub3A_172 : vector<8x4096xf32>
      %mul3A = arith.mulf %sub3A_169, %sub3A_169 : vector<8x4096xf32>
      %mul3A_174 = arith.mulf %sub3A_171, %sub3A_171 : vector<8x4096xf32>
      %add3A = arith.addf %mul3A, %mul3A_174 : vector<8x4096xf32>
      %mul3A_175 = arith.mulf %sub3A_173, %sub3A_173 : vector<8x4096xf32>
      %add3A_176 = arith.addf %add3A, %mul3A_175 : vector<8x4096xf32>
      %min3A = arith.minimumf %scan3A_149, %add3A_176 : vector<8x4096xf32>
      %reduce_max3A = arith.constant dense<0xFF800000> : vector<8xf32>
      %reduce_max3A_177 = vector.multi_reduction <maximumf>, %min3A, %reduce_max3A [1] : vector<8x4096xf32> to vector<8xf32>
      %broadcast_in_dim3A_178 = vector.shape_cast %reduce_max3A_177 : vector<8xf32> to vector<8x1xf32>
      %eq3A_179 = vector.broadcast %broadcast_in_dim3A_178 : vector<8x1xf32> to vector<8x4096xf32>
      %eq3A_180 = arith.cmpf oeq, %min3A, %eq3A_179 : vector<8x4096xf32>
      %jit3A = arith.constant 4096 : i32
      %broadcast_in_dim3A_181 = vector.broadcast %jit3A : i32 to vector<8x4096xi32>
      %select_n3A_182 = arith.select %eq3A_180, %iota3A, %broadcast_in_dim3A_181 : vector<8x4096xi1>, vector<8x4096xi32>
      %reduce_min3A = arith.constant dense<2147483647> : vector<8xi32>
      %reduce_min3A_183 = vector.multi_reduction <minsi>, %select_n3A_182, %reduce_min3A [1] : vector<8x4096xi32> to vector<8xi32>
      %broadcast_in_dim3A_184 = vector.shape_cast %reduce_min3A_183 : vector<8xi32> to vector<8x1xi32>
      %eq3A_185 = vector.broadcast %broadcast_in_dim3A_184 : vector<8x1xi32> to vector<8x4096xi32>
      %eq3A_186 = arith.cmpi eq, %iota3A, %eq3A_185 : vector<8x4096xi32>
      %select_n3A_187 = arith.select %eq3A_186, %get3A_1, %broadcast_in_dim3A_13 : vector<8x4096xi1>, vector<8x4096xf32>
      %reduce_sum3A = arith.constant dense<0.000000e+00> : vector<8xf32>
      %reduce_sum3A_188 = vector.multi_reduction <add>, %select_n3A_187, %reduce_sum3A [1] : vector<8x4096xf32> to vector<8xf32>
      %broadcast_in_dim3A_189 = vector.shape_cast %reduce_sum3A_188 : vector<8xf32> to vector<8x1xf32>
      %select_n3A_190 = arith.select %eq3A_186, %get3A_4, %broadcast_in_dim3A_13 : vector<8x4096xi1>, vector<8x4096xf32>
      %reduce_sum3A_191 = arith.constant dense<0.000000e+00> : vector<8xf32>
      %reduce_sum3A_192 = vector.multi_reduction <add>, %select_n3A_190, %reduce_sum3A_191 [1] : vector<8x4096xf32> to vector<8xf32>
      %broadcast_in_dim3A_193 = vector.shape_cast %reduce_sum3A_192 : vector<8xf32> to vector<8x1xf32>
      %select_n3A_194 = arith.select %eq3A_186, %get3A_7, %broadcast_in_dim3A_13 : vector<8x4096xi1>, vector<8x4096xf32>
      %reduce_sum3A_195 = arith.constant dense<0.000000e+00> : vector<8xf32>
      %reduce_sum3A_196 = vector.multi_reduction <add>, %select_n3A_194, %reduce_sum3A_195 [1] : vector<8x4096xf32> to vector<8xf32>
      %broadcast_in_dim3A_197 = vector.shape_cast %reduce_sum3A_196 : vector<8xf32> to vector<8x1xf32>
      scf.yield %min3A, %broadcast_in_dim3A_189, %broadcast_in_dim3A_193, %broadcast_in_dim3A_197, %select_n3A, %select_n3A_163, %select_n3A_168 : vector<8x4096xf32>, vector<8x1xf32>, vector<8x1xf32>, vector<8x1xf32>, vector<8x128xf32>, vector<8x128xf32>, vector<8x128xf32>
    }
    %scan3A_104 = arith.constant 128 : i32
    %swap3A_105 = arith.constant 0 : index
    %swap3A_106 = arith.constant 640 : index
    %swap3A_107 = vector.load %arg3[%swap3A_105, %swap3A_106] : memref<8x1024xf32, #tpu.memory_space<vmem>>, vector<8x128xf32>
    tpu.vector_store %arg3[%swap3A_105, %swap3A_106], %scan3A_103#4 {strides = array<i32>} : memref<8x1024xf32, #tpu.memory_space<vmem>>, vector<8x128xf32>,
    %swap3A_108 = arith.constant 0 : index
    %swap3A_109 = arith.constant 640 : index
    %swap3A_110 = vector.load %arg4[%swap3A_108, %swap3A_109] : memref<8x1024xf32, #tpu.memory_space<vmem>>, vector<8x128xf32>
    tpu.vector_store %arg4[%swap3A_108, %swap3A_109], %scan3A_103#5 {strides = array<i32>} : memref<8x1024xf32, #tpu.memory_space<vmem>>, vector<8x128xf32>,
    %swap3A_111 = arith.constant 0 : index
    %swap3A_112 = arith.constant 640 : index
    %swap3A_113 = vector.load %arg5[%swap3A_111, %swap3A_112] : memref<8x1024xf32, #tpu.memory_space<vmem>>, vector<8x128xf32>
    tpu.vector_store %arg5[%swap3A_111, %swap3A_112], %scan3A_103#6 {strides = array<i32>} : memref<8x1024xf32, #tpu.memory_space<vmem>>, vector<8x128xf32>,
    %broadcast_in_dim3A_114 = arith.constant 0.000000e+00 : f32
    %broadcast_in_dim3A_115 = vector.broadcast %broadcast_in_dim3A_114 : f32 to vector<8x128xf32>
    %scan3A_116 = arith.constant 0 : i32
    %scan3A_117 = arith.constant 128 : i32
    %scan3A_118 = arith.addi %scan3A_116, %scan3A_117 : i32
    %scan3A_119 = arith.constant 1 : i32
    %scan3A_120:7 = scf.for %scan3A_148 = %scan3A_116 to %scan3A_118 step %scan3A_119 iter_args(%scan3A_149 = %scan3A_103#0, %scan3A_150 = %scan3A_103#1, %scan3A_151 = %scan3A_103#2, %scan3A_152 = %scan3A_103#3, %scan3A_153 = %broadcast_in_dim3A_115, %scan3A_154 = %broadcast_in_dim3A_115, %scan3A_155 = %broadcast_in_dim3A_115) -> (vector<8x4096xf32>, vector<8x1xf32>, vector<8x1xf32>, vector<8x1xf32>, vector<8x128xf32>, vector<8x128xf32>, vector<8x128xf32>)  : i32 {
      %eq3A = vector.broadcast %scan3A_148 : i32 to vector<8x128xi32>
      %eq3A_156 = arith.cmpi eq, %iota3A_8, %eq3A : vector<8x128xi32>
      %broadcast_in_dim3A_157 = vector.shape_cast %scan3A_150 : vector<8x1xf32> to vector<8x1xf32>
      %broadcast_in_dim3A_158 = vector.broadcast %broadcast_in_dim3A_157 : vector<8x1xf32> to vector<8x128xf32>
      %select_n3A = arith.select %eq3A_156, %broadcast_in_dim3A_158, %scan3A_153 : vector<8x128xi1>, vector<8x128xf32>
      %eq3A_159 = vector.broadcast %scan3A_148 : i32 to vector<8x128xi32>
      %eq3A_160 = arith.cmpi eq, %iota3A_8, %eq3A_159 : vector<8x128xi32>
      %broadcast_in_dim3A_161 = vector.shape_cast %scan3A_151 : vector<8x1xf32> to vector<8x1xf32>
      %broadcast_in_dim3A_162 = vector.broadcast %broadcast_in_dim3A_161 : vector<8x1xf32> to vector<8x128xf32>
      %select_n3A_163 = arith.select %eq3A_160, %broadcast_in_dim3A_162, %scan3A_154 : vector<8x128xi1>, vector<8x128xf32>
      %eq3A_164 = vector.broadcast %scan3A_148 : i32 to vector<8x128xi32>
      %eq3A_165 = arith.cmpi eq, %iota3A_8, %eq3A_164 : vector<8x128xi32>
      %broadcast_in_dim3A_166 = vector.shape_cast %scan3A_152 : vector<8x1xf32> to vector<8x1xf32>
      %broadcast_in_dim3A_167 = vector.broadcast %broadcast_in_dim3A_166 : vector<8x1xf32> to vector<8x128xf32>
      %select_n3A_168 = arith.select %eq3A_165, %broadcast_in_dim3A_167, %scan3A_155 : vector<8x128xi1>, vector<8x128xf32>
      %sub3A = vector.broadcast %scan3A_150 : vector<8x1xf32> to vector<8x4096xf32>
      %sub3A_169 = arith.subf %get3A_1, %sub3A : vector<8x4096xf32>
      %sub3A_170 = vector.broadcast %scan3A_151 : vector<8x1xf32> to vector<8x4096xf32>
      %sub3A_171 = arith.subf %get3A_4, %sub3A_170 : vector<8x4096xf32>
      %sub3A_172 = vector.broadcast %scan3A_152 : vector<8x1xf32> to vector<8x4096xf32>
      %sub3A_173 = arith.subf %get3A_7, %sub3A_172 : vector<8x4096xf32>
      %mul3A = arith.mulf %sub3A_169, %sub3A_169 : vector<8x4096xf32>
      %mul3A_174 = arith.mulf %sub3A_171, %sub3A_171 : vector<8x4096xf32>
      %add3A = arith.addf %mul3A, %mul3A_174 : vector<8x4096xf32>
      %mul3A_175 = arith.mulf %sub3A_173, %sub3A_173 : vector<8x4096xf32>
      %add3A_176 = arith.addf %add3A, %mul3A_175 : vector<8x4096xf32>
      %min3A = arith.minimumf %scan3A_149, %add3A_176 : vector<8x4096xf32>
      %reduce_max3A = arith.constant dense<0xFF800000> : vector<8xf32>
      %reduce_max3A_177 = vector.multi_reduction <maximumf>, %min3A, %reduce_max3A [1] : vector<8x4096xf32> to vector<8xf32>
      %broadcast_in_dim3A_178 = vector.shape_cast %reduce_max3A_177 : vector<8xf32> to vector<8x1xf32>
      %eq3A_179 = vector.broadcast %broadcast_in_dim3A_178 : vector<8x1xf32> to vector<8x4096xf32>
      %eq3A_180 = arith.cmpf oeq, %min3A, %eq3A_179 : vector<8x4096xf32>
      %jit3A = arith.constant 4096 : i32
      %broadcast_in_dim3A_181 = vector.broadcast %jit3A : i32 to vector<8x4096xi32>
      %select_n3A_182 = arith.select %eq3A_180, %iota3A, %broadcast_in_dim3A_181 : vector<8x4096xi1>, vector<8x4096xi32>
      %reduce_min3A = arith.constant dense<2147483647> : vector<8xi32>
      %reduce_min3A_183 = vector.multi_reduction <minsi>, %select_n3A_182, %reduce_min3A [1] : vector<8x4096xi32> to vector<8xi32>
      %broadcast_in_dim3A_184 = vector.shape_cast %reduce_min3A_183 : vector<8xi32> to vector<8x1xi32>
      %eq3A_185 = vector.broadcast %broadcast_in_dim3A_184 : vector<8x1xi32> to vector<8x4096xi32>
      %eq3A_186 = arith.cmpi eq, %iota3A, %eq3A_185 : vector<8x4096xi32>
      %select_n3A_187 = arith.select %eq3A_186, %get3A_1, %broadcast_in_dim3A_13 : vector<8x4096xi1>, vector<8x4096xf32>
      %reduce_sum3A = arith.constant dense<0.000000e+00> : vector<8xf32>
      %reduce_sum3A_188 = vector.multi_reduction <add>, %select_n3A_187, %reduce_sum3A [1] : vector<8x4096xf32> to vector<8xf32>
      %broadcast_in_dim3A_189 = vector.shape_cast %reduce_sum3A_188 : vector<8xf32> to vector<8x1xf32>
      %select_n3A_190 = arith.select %eq3A_186, %get3A_4, %broadcast_in_dim3A_13 : vector<8x4096xi1>, vector<8x4096xf32>
      %reduce_sum3A_191 = arith.constant dense<0.000000e+00> : vector<8xf32>
      %reduce_sum3A_192 = vector.multi_reduction <add>, %select_n3A_190, %reduce_sum3A_191 [1] : vector<8x4096xf32> to vector<8xf32>
      %broadcast_in_dim3A_193 = vector.shape_cast %reduce_sum3A_192 : vector<8xf32> to vector<8x1xf32>
      %select_n3A_194 = arith.select %eq3A_186, %get3A_7, %broadcast_in_dim3A_13 : vector<8x4096xi1>, vector<8x4096xf32>
      %reduce_sum3A_195 = arith.constant dense<0.000000e+00> : vector<8xf32>
      %reduce_sum3A_196 = vector.multi_reduction <add>, %select_n3A_194, %reduce_sum3A_195 [1] : vector<8x4096xf32> to vector<8xf32>
      %broadcast_in_dim3A_197 = vector.shape_cast %reduce_sum3A_196 : vector<8xf32> to vector<8x1xf32>
      scf.yield %min3A, %broadcast_in_dim3A_189, %broadcast_in_dim3A_193, %broadcast_in_dim3A_197, %select_n3A, %select_n3A_163, %select_n3A_168 : vector<8x4096xf32>, vector<8x1xf32>, vector<8x1xf32>, vector<8x1xf32>, vector<8x128xf32>, vector<8x128xf32>, vector<8x128xf32>
    }
    %scan3A_121 = arith.constant 128 : i32
    %swap3A_122 = arith.constant 0 : index
    %swap3A_123 = arith.constant 768 : index
    %swap3A_124 = vector.load %arg3[%swap3A_122, %swap3A_123] : memref<8x1024xf32, #tpu.memory_space<vmem>>, vector<8x128xf32>
    tpu.vector_store %arg3[%swap3A_122, %swap3A_123], %scan3A_120#4 {strides = array<i32>} : memref<8x1024xf32, #tpu.memory_space<vmem>>, vector<8x128xf32>,
    %swap3A_125 = arith.constant 0 : index
    %swap3A_126 = arith.constant 768 : index
    %swap3A_127 = vector.load %arg4[%swap3A_125, %swap3A_126] : memref<8x1024xf32, #tpu.memory_space<vmem>>, vector<8x128xf32>
    tpu.vector_store %arg4[%swap3A_125, %swap3A_126], %scan3A_120#5 {strides = array<i32>} : memref<8x1024xf32, #tpu.memory_space<vmem>>, vector<8x128xf32>,
    %swap3A_128 = arith.constant 0 : index
    %swap3A_129 = arith.constant 768 : index
    %swap3A_130 = vector.load %arg5[%swap3A_128, %swap3A_129] : memref<8x1024xf32, #tpu.memory_space<vmem>>, vector<8x128xf32>
    tpu.vector_store %arg5[%swap3A_128, %swap3A_129], %scan3A_120#6 {strides = array<i32>} : memref<8x1024xf32, #tpu.memory_space<vmem>>, vector<8x128xf32>,
    %broadcast_in_dim3A_131 = arith.constant 0.000000e+00 : f32
    %broadcast_in_dim3A_132 = vector.broadcast %broadcast_in_dim3A_131 : f32 to vector<8x128xf32>
    %scan3A_133 = arith.constant 0 : i32
    %scan3A_134 = arith.constant 128 : i32
    %scan3A_135 = arith.addi %scan3A_133, %scan3A_134 : i32
    %scan3A_136 = arith.constant 1 : i32
    %scan3A_137:7 = scf.for %scan3A_148 = %scan3A_133 to %scan3A_135 step %scan3A_136 iter_args(%scan3A_149 = %scan3A_120#0, %scan3A_150 = %scan3A_120#1, %scan3A_151 = %scan3A_120#2, %scan3A_152 = %scan3A_120#3, %scan3A_153 = %broadcast_in_dim3A_132, %scan3A_154 = %broadcast_in_dim3A_132, %scan3A_155 = %broadcast_in_dim3A_132) -> (vector<8x4096xf32>, vector<8x1xf32>, vector<8x1xf32>, vector<8x1xf32>, vector<8x128xf32>, vector<8x128xf32>, vector<8x128xf32>)  : i32 {
      %eq3A = vector.broadcast %scan3A_148 : i32 to vector<8x128xi32>
      %eq3A_156 = arith.cmpi eq, %iota3A_8, %eq3A : vector<8x128xi32>
      %broadcast_in_dim3A_157 = vector.shape_cast %scan3A_150 : vector<8x1xf32> to vector<8x1xf32>
      %broadcast_in_dim3A_158 = vector.broadcast %broadcast_in_dim3A_157 : vector<8x1xf32> to vector<8x128xf32>
      %select_n3A = arith.select %eq3A_156, %broadcast_in_dim3A_158, %scan3A_153 : vector<8x128xi1>, vector<8x128xf32>
      %eq3A_159 = vector.broadcast %scan3A_148 : i32 to vector<8x128xi32>
      %eq3A_160 = arith.cmpi eq, %iota3A_8, %eq3A_159 : vector<8x128xi32>
      %broadcast_in_dim3A_161 = vector.shape_cast %scan3A_151 : vector<8x1xf32> to vector<8x1xf32>
      %broadcast_in_dim3A_162 = vector.broadcast %broadcast_in_dim3A_161 : vector<8x1xf32> to vector<8x128xf32>
      %select_n3A_163 = arith.select %eq3A_160, %broadcast_in_dim3A_162, %scan3A_154 : vector<8x128xi1>, vector<8x128xf32>
      %eq3A_164 = vector.broadcast %scan3A_148 : i32 to vector<8x128xi32>
      %eq3A_165 = arith.cmpi eq, %iota3A_8, %eq3A_164 : vector<8x128xi32>
      %broadcast_in_dim3A_166 = vector.shape_cast %scan3A_152 : vector<8x1xf32> to vector<8x1xf32>
      %broadcast_in_dim3A_167 = vector.broadcast %broadcast_in_dim3A_166 : vector<8x1xf32> to vector<8x128xf32>
      %select_n3A_168 = arith.select %eq3A_165, %broadcast_in_dim3A_167, %scan3A_155 : vector<8x128xi1>, vector<8x128xf32>
      %sub3A = vector.broadcast %scan3A_150 : vector<8x1xf32> to vector<8x4096xf32>
      %sub3A_169 = arith.subf %get3A_1, %sub3A : vector<8x4096xf32>
      %sub3A_170 = vector.broadcast %scan3A_151 : vector<8x1xf32> to vector<8x4096xf32>
      %sub3A_171 = arith.subf %get3A_4, %sub3A_170 : vector<8x4096xf32>
      %sub3A_172 = vector.broadcast %scan3A_152 : vector<8x1xf32> to vector<8x4096xf32>
      %sub3A_173 = arith.subf %get3A_7, %sub3A_172 : vector<8x4096xf32>
      %mul3A = arith.mulf %sub3A_169, %sub3A_169 : vector<8x4096xf32>
      %mul3A_174 = arith.mulf %sub3A_171, %sub3A_171 : vector<8x4096xf32>
      %add3A = arith.addf %mul3A, %mul3A_174 : vector<8x4096xf32>
      %mul3A_175 = arith.mulf %sub3A_173, %sub3A_173 : vector<8x4096xf32>
      %add3A_176 = arith.addf %add3A, %mul3A_175 : vector<8x4096xf32>
      %min3A = arith.minimumf %scan3A_149, %add3A_176 : vector<8x4096xf32>
      %reduce_max3A = arith.constant dense<0xFF800000> : vector<8xf32>
      %reduce_max3A_177 = vector.multi_reduction <maximumf>, %min3A, %reduce_max3A [1] : vector<8x4096xf32> to vector<8xf32>
      %broadcast_in_dim3A_178 = vector.shape_cast %reduce_max3A_177 : vector<8xf32> to vector<8x1xf32>
      %eq3A_179 = vector.broadcast %broadcast_in_dim3A_178 : vector<8x1xf32> to vector<8x4096xf32>
      %eq3A_180 = arith.cmpf oeq, %min3A, %eq3A_179 : vector<8x4096xf32>
      %jit3A = arith.constant 4096 : i32
      %broadcast_in_dim3A_181 = vector.broadcast %jit3A : i32 to vector<8x4096xi32>
      %select_n3A_182 = arith.select %eq3A_180, %iota3A, %broadcast_in_dim3A_181 : vector<8x4096xi1>, vector<8x4096xi32>
      %reduce_min3A = arith.constant dense<2147483647> : vector<8xi32>
      %reduce_min3A_183 = vector.multi_reduction <minsi>, %select_n3A_182, %reduce_min3A [1] : vector<8x4096xi32> to vector<8xi32>
      %broadcast_in_dim3A_184 = vector.shape_cast %reduce_min3A_183 : vector<8xi32> to vector<8x1xi32>
      %eq3A_185 = vector.broadcast %broadcast_in_dim3A_184 : vector<8x1xi32> to vector<8x4096xi32>
      %eq3A_186 = arith.cmpi eq, %iota3A, %eq3A_185 : vector<8x4096xi32>
      %select_n3A_187 = arith.select %eq3A_186, %get3A_1, %broadcast_in_dim3A_13 : vector<8x4096xi1>, vector<8x4096xf32>
      %reduce_sum3A = arith.constant dense<0.000000e+00> : vector<8xf32>
      %reduce_sum3A_188 = vector.multi_reduction <add>, %select_n3A_187, %reduce_sum3A [1] : vector<8x4096xf32> to vector<8xf32>
      %broadcast_in_dim3A_189 = vector.shape_cast %reduce_sum3A_188 : vector<8xf32> to vector<8x1xf32>
      %select_n3A_190 = arith.select %eq3A_186, %get3A_4, %broadcast_in_dim3A_13 : vector<8x4096xi1>, vector<8x4096xf32>
      %reduce_sum3A_191 = arith.constant dense<0.000000e+00> : vector<8xf32>
      %reduce_sum3A_192 = vector.multi_reduction <add>, %select_n3A_190, %reduce_sum3A_191 [1] : vector<8x4096xf32> to vector<8xf32>
      %broadcast_in_dim3A_193 = vector.shape_cast %reduce_sum3A_192 : vector<8xf32> to vector<8x1xf32>
      %select_n3A_194 = arith.select %eq3A_186, %get3A_7, %broadcast_in_dim3A_13 : vector<8x4096xi1>, vector<8x4096xf32>
      %reduce_sum3A_195 = arith.constant dense<0.000000e+00> : vector<8xf32>
      %reduce_sum3A_196 = vector.multi_reduction <add>, %select_n3A_194, %reduce_sum3A_195 [1] : vector<8x4096xf32> to vector<8xf32>
      %broadcast_in_dim3A_197 = vector.shape_cast %reduce_sum3A_196 : vector<8xf32> to vector<8x1xf32>
      scf.yield %min3A, %broadcast_in_dim3A_189, %broadcast_in_dim3A_193, %broadcast_in_dim3A_197, %select_n3A, %select_n3A_163, %select_n3A_168 : vector<8x4096xf32>, vector<8x1xf32>, vector<8x1xf32>, vector<8x1xf32>, vector<8x128xf32>, vector<8x128xf32>, vector<8x128xf32>
    }
    %scan3A_138 = arith.constant 128 : i32
    %swap3A_139 = arith.constant 0 : index
    %swap3A_140 = arith.constant 896 : index
    %swap3A_141 = vector.load %arg3[%swap3A_139, %swap3A_140] : memref<8x1024xf32, #tpu.memory_space<vmem>>, vector<8x128xf32>
    tpu.vector_store %arg3[%swap3A_139, %swap3A_140], %scan3A_137#4 {strides = array<i32>} : memref<8x1024xf32, #tpu.memory_space<vmem>>, vector<8x128xf32>,
    %swap3A_142 = arith.constant 0 : index
    %swap3A_143 = arith.constant 896 : index
    %swap3A_144 = vector.load %arg4[%swap3A_142, %swap3A_143] : memref<8x1024xf32, #tpu.memory_space<vmem>>, vector<8x128xf32>
    tpu.vector_store %arg4[%swap3A_142, %swap3A_143], %scan3A_137#5 {strides = array<i32>} : memref<8x1024xf32, #tpu.memory_space<vmem>>, vector<8x128xf32>,
    %swap3A_145 = arith.constant 0 : index
    %swap3A_146 = arith.constant 896 : index
    %swap3A_147 = vector.load %arg5[%swap3A_145, %swap3A_146] : memref<8x1024xf32, #tpu.memory_space<vmem>>, vector<8x128xf32>
    tpu.vector_store %arg5[%swap3A_145, %swap3A_146], %scan3A_137#6 {strides = array<i32>} : memref<8x1024xf32, #tpu.memory_space<vmem>>, vector<8x128xf32>,
    return
  }
}

module attributes {stable_mosaic.version = 14 : i64} {
  func.func @_mask_body(%arg0: i32, %arg1: i32, %arg2: memref<1x256x3xf32, #tpu.memory_space<vmem>>, %arg3: memref<1x3x4096xf32, #tpu.memory_space<vmem>>, %arg4: memref<4096x256xbf16, #tpu.memory_space<vmem>>, %arg5: memref<1x256x128xi32, #tpu.memory_space<vmem>>) attributes {dimension_semantics = [#tpu.dimension_semantics<arbitrary>, #tpu.dimension_semantics<arbitrary>], iteration_bounds = array<i64: 18, 4>, scalar_prefetch = 0 : i64, scratch_operands = 0 : i64, tpu.core_type = #tpu.core_type<tc>, window_params = [{transform_indices = @transform_0, window_bounds = array<i64: 1, 256, 3>}, {transform_indices = @transform_1, window_bounds = array<i64: 1, 3, 4096>}, {pipeline_mode = #tpu.pipeline_mode<synchronous>, transform_indices = @transform_2, window_bounds = array<i64: 4096, 256>}, {transform_indices = @transform_3, window_bounds = array<i64: 1, 256, 128>}]} {
    %get3A = arith.constant 0 : index
    %get3A_0 = arith.constant 0 : index
    %get3A_1 = arith.constant 0 : index
    %get3A_2 = vector.load %arg2[%get3A, %get3A_0, %get3A_1] : memref<1x256x3xf32, #tpu.memory_space<vmem>>, vector<1x256x3xf32>
    %get3A_3 = vector.shape_cast %get3A_2 : vector<1x256x3xf32> to vector<256x3xf32>
    %get3A_4 = arith.constant 0 : index
    %get3A_5 = arith.constant 0 : index
    %get3A_6 = arith.constant 0 : index
    %get3A_7 = vector.load %arg3[%get3A_4, %get3A_5, %get3A_6] : memref<1x3x4096xf32, #tpu.memory_space<vmem>>, vector<1x3x4096xf32>
    %get3A_8 = vector.shape_cast %get3A_7 : vector<1x3x4096xf32> to vector<3x4096xf32>
    %slice3A = vector.extract_strided_slice %get3A_3 {offsets = [0, 0], sizes = [256, 1], strides = [1, 1]} : vector<256x3xf32> to vector<256x1xf32>
    %slice3A_9 = vector.extract_strided_slice %get3A_3 {offsets = [0, 0], sizes = [256, 1], strides = [1, 1]} : vector<256x3xf32> to vector<256x1xf32>
    %mul3A = arith.mulf %slice3A, %slice3A_9 : vector<256x1xf32>
    %slice3A_10 = vector.extract_strided_slice %get3A_3 {offsets = [0, 1], sizes = [256, 1], strides = [1, 1]} : vector<256x3xf32> to vector<256x1xf32>
    %slice3A_11 = vector.extract_strided_slice %get3A_3 {offsets = [0, 1], sizes = [256, 1], strides = [1, 1]} : vector<256x3xf32> to vector<256x1xf32>
    %mul3A_12 = arith.mulf %slice3A_10, %slice3A_11 : vector<256x1xf32>
    %add3A = arith.addf %mul3A, %mul3A_12 : vector<256x1xf32>
    %slice3A_13 = vector.extract_strided_slice %get3A_3 {offsets = [0, 2], sizes = [256, 1], strides = [1, 1]} : vector<256x3xf32> to vector<256x1xf32>
    %slice3A_14 = vector.extract_strided_slice %get3A_3 {offsets = [0, 2], sizes = [256, 1], strides = [1, 1]} : vector<256x3xf32> to vector<256x1xf32>
    %mul3A_15 = arith.mulf %slice3A_13, %slice3A_14 : vector<256x1xf32>
    %add3A_16 = arith.addf %add3A, %mul3A_15 : vector<256x1xf32>
    %slice3A_17 = vector.extract_strided_slice %get3A_8 {offsets = [0, 0], sizes = [1, 4096], strides = [1, 1]} : vector<3x4096xf32> to vector<1x4096xf32>
    %slice3A_18 = vector.extract_strided_slice %get3A_8 {offsets = [0, 0], sizes = [1, 4096], strides = [1, 1]} : vector<3x4096xf32> to vector<1x4096xf32>
    %mul3A_19 = arith.mulf %slice3A_17, %slice3A_18 : vector<1x4096xf32>
    %slice3A_20 = vector.extract_strided_slice %get3A_8 {offsets = [1, 0], sizes = [1, 4096], strides = [1, 1]} : vector<3x4096xf32> to vector<1x4096xf32>
    %slice3A_21 = vector.extract_strided_slice %get3A_8 {offsets = [1, 0], sizes = [1, 4096], strides = [1, 1]} : vector<3x4096xf32> to vector<1x4096xf32>
    %mul3A_22 = arith.mulf %slice3A_20, %slice3A_21 : vector<1x4096xf32>
    %add3A_23 = arith.addf %mul3A_19, %mul3A_22 : vector<1x4096xf32>
    %slice3A_24 = vector.extract_strided_slice %get3A_8 {offsets = [2, 0], sizes = [1, 4096], strides = [1, 1]} : vector<3x4096xf32> to vector<1x4096xf32>
    %slice3A_25 = vector.extract_strided_slice %get3A_8 {offsets = [2, 0], sizes = [1, 4096], strides = [1, 1]} : vector<3x4096xf32> to vector<1x4096xf32>
    %mul3A_26 = arith.mulf %slice3A_24, %slice3A_25 : vector<1x4096xf32>
    %add3A_27 = arith.addf %add3A_23, %mul3A_26 : vector<1x4096xf32>
    %dot_general3A = arith.constant dense<0.000000e+00> : vector<256x4096xf32>
    %dot_general3A_28 = tpu.matmul %get3A_3, %get3A_8, %dot_general3A {dimension_numbers = #tpu.dot_dimension_numbers<[1], [0], [0], [1], [0, 0, 1, 1], [], []>, transpose_lhs_hint = false} : vector<256x3xf32>, vector<3x4096xf32>, vector<256x4096xf32> -> vector<256x4096xf32>
    %add3A_29 = vector.broadcast %add3A_16 : vector<256x1xf32> to vector<256x4096xf32>
    %add3A_30 = vector.broadcast %add3A_27 : vector<1x4096xf32> to vector<256x4096xf32>
    %add3A_31 = arith.addf %add3A_29, %add3A_30 : vector<256x4096xf32>
    %mul3A_32 = arith.constant 2.000000e+00 : f32
    %mul3A_33 = vector.broadcast %mul3A_32 : f32 to vector<256x4096xf32>
    %mul3A_34 = arith.mulf %mul3A_33, %dot_general3A_28 : vector<256x4096xf32>
    %sub3A = arith.subf %add3A_31, %mul3A_34 : vector<256x4096xf32>
    %lt3A = arith.constant 8.100000e-01 : f32
    %lt3A_35 = vector.broadcast %lt3A : f32 to vector<256x4096xf32>
    %lt3A_36 = arith.cmpf olt, %sub3A, %lt3A_35 : vector<256x4096xf32>
    %convert_element_type3A = arith.extui %lt3A_36 : vector<256x4096xi1> to vector<256x4096xi32>
    %convert_element_type3A_37 = arith.sitofp %convert_element_type3A : vector<256x4096xi32> to vector<256x4096xf32>
    %convert_element_type3A_38 = arith.truncf %convert_element_type3A_37 : vector<256x4096xf32> to vector<256x4096xbf16>
    %get3A_39 = arith.constant 0 : index
    %get3A_40 = arith.constant 0 : index
    %get3A_41 = vector.load %arg4[%get3A_39, %get3A_40] : memref<4096x256xbf16, #tpu.memory_space<vmem>>, vector<4096x256xbf16>
    %dot_general3A_42 = arith.constant dense<0.000000e+00> : vector<256x256xf32>
    %dot_general3A_43 = tpu.matmul %convert_element_type3A_38, %get3A_41, %dot_general3A_42 {dimension_numbers = #tpu.dot_dimension_numbers<[1], [0], [0], [1], [0, 0, 1, 1], [], []>, transpose_lhs_hint = false} : vector<256x4096xbf16>, vector<4096x256xbf16>, vector<256x256xf32> -> vector<256x256xf32>
    %slice3A_44 = vector.extract_strided_slice %dot_general3A_43 {offsets = [0, 0], sizes = [256, 128], strides = [1, 1]} : vector<256x256xf32> to vector<256x128xf32>
    %convert_element_type3A_45 = arith.fptosi %slice3A_44 : vector<256x128xf32> to vector<256x128xi32>
    %slice3A_46 = vector.extract_strided_slice %dot_general3A_43 {offsets = [0, 128], sizes = [256, 128], strides = [1, 1]} : vector<256x256xf32> to vector<256x128xf32>
    %convert_element_type3A_47 = arith.fptosi %slice3A_46 : vector<256x128xf32> to vector<256x128xi32>
    %shift_left3A = arith.constant 16 : i32
    %shift_left3A_48 = vector.broadcast %shift_left3A : i32 to vector<256x128xi32>
    %shift_left3A_49 = arith.shli %convert_element_type3A_47, %shift_left3A_48 : vector<256x128xi32>
    %or3A = arith.ori %convert_element_type3A_45, %shift_left3A_49 : vector<256x128xi32>
    %swap3A = arith.constant 0 : index
    %swap3A_50 = arith.constant 0 : index
    %swap3A_51 = arith.constant 0 : index
    %swap3A_52 = vector.load %arg5[%swap3A, %swap3A_50, %swap3A_51] : memref<1x256x128xi32, #tpu.memory_space<vmem>>, vector<1x256x128xi32>
    %swap3A_53 = vector.shape_cast %swap3A_52 : vector<1x256x128xi32> to vector<256x128xi32>
    %swap3A_54 = vector.shape_cast %or3A : vector<256x128xi32> to vector<1x256x128xi32>
    tpu.vector_store %arg5[%swap3A, %swap3A_50, %swap3A_51], %swap3A_54 {strides = array<i32>} : memref<1x256x128xi32, #tpu.memory_space<vmem>>, vector<1x256x128xi32>,
    return
  }
  func.func @transform_0(%arg0: i32, %arg1: i32) -> (i32, i32, i32) {
    %jit3A = arith.constant 9 : i32
    %div3A = arith.divsi %arg0, %jit3A : i32
    %sign3A = arith.constant 0 : i32
    %sign3A_0 = arith.cmpi sgt, %arg0, %sign3A : i32
    %sign3A_1 = arith.extui %sign3A_0 : i1 to i32
    %sign3A_2 = arith.constant 0 : i32
    %sign3A_3 = arith.cmpi slt, %arg0, %sign3A_2 : i32
    %sign3A_4 = arith.extui %sign3A_3 : i1 to i32
    %sign3A_5 = arith.subi %sign3A_1, %sign3A_4 : i32
    %sign3A_6 = arith.constant 0 : i32
    %sign3A_7 = arith.cmpi sgt, %jit3A, %sign3A_6 : i32
    %sign3A_8 = arith.extui %sign3A_7 : i1 to i32
    %sign3A_9 = arith.constant 0 : i32
    %sign3A_10 = arith.cmpi slt, %jit3A, %sign3A_9 : i32
    %sign3A_11 = arith.extui %sign3A_10 : i1 to i32
    %sign3A_12 = arith.subi %sign3A_8, %sign3A_11 : i32
    %ne3A = arith.cmpi ne, %sign3A_5, %sign3A_12 : i32
    %rem3A = arith.remsi %arg0, %jit3A : i32
    %ne3A_13 = arith.constant 0 : i32
    %ne3A_14 = arith.cmpi ne, %rem3A, %ne3A_13 : i32
    %and3A = arith.andi %ne3A, %ne3A_14 : i1
    %sub3A = arith.constant 1 : i32
    %sub3A_15 = arith.subi %div3A, %sub3A : i32
    %select_n3A = arith.select %and3A, %sub3A_15, %div3A : i32
    %mul3A = arith.constant 3 : i32
    %mul3A_16 = arith.muli %select_n3A, %mul3A : i32
    %jit3A_17 = arith.constant 9 : i32
    %eq3A = arith.constant 0 : i32
    %eq3A_18 = arith.cmpi eq, %jit3A_17, %eq3A : i32
    %jit3A_19 = arith.constant 1 : i32
    %select_n3A_20 = arith.select %eq3A_18, %jit3A_19, %jit3A_17 : i32
    %rem3A_21 = arith.remsi %arg0, %select_n3A_20 : i32
    %ne3A_22 = arith.constant 0 : i32
    %ne3A_23 = arith.cmpi ne, %rem3A_21, %ne3A_22 : i32
    %lt3A = arith.constant 0 : i32
    %lt3A_24 = arith.cmpi slt, %rem3A_21, %lt3A : i32
    %lt3A_25 = arith.constant 0 : i32
    %lt3A_26 = arith.cmpi slt, %select_n3A_20, %lt3A_25 : i32
    %ne3A_27 = arith.xori %lt3A_24, %lt3A_26 : i1
    %and3A_28 = arith.andi %ne3A_27, %ne3A_23 : i1
    %add3A = arith.addi %rem3A_21, %select_n3A_20 : i32
    %select_n3A_29 = arith.select %and3A_28, %add3A, %rem3A_21 : i32
    %jit3A_30 = arith.constant 3 : i32
    %div3A_31 = arith.divsi %select_n3A_29, %jit3A_30 : i32
    %sign3A_32 = arith.constant 0 : i32
    %sign3A_33 = arith.cmpi sgt, %select_n3A_29, %sign3A_32 : i32
    %sign3A_34 = arith.extui %sign3A_33 : i1 to i32
    %sign3A_35 = arith.constant 0 : i32
    %sign3A_36 = arith.cmpi slt, %select_n3A_29, %sign3A_35 : i32
    %sign3A_37 = arith.extui %sign3A_36 : i1 to i32
    %sign3A_38 = arith.subi %sign3A_34, %sign3A_37 : i32
    %sign3A_39 = arith.constant 0 : i32
    %sign3A_40 = arith.cmpi sgt, %jit3A_30, %sign3A_39 : i32
    %sign3A_41 = arith.extui %sign3A_40 : i1 to i32
    %sign3A_42 = arith.constant 0 : i32
    %sign3A_43 = arith.cmpi slt, %jit3A_30, %sign3A_42 : i32
    %sign3A_44 = arith.extui %sign3A_43 : i1 to i32
    %sign3A_45 = arith.subi %sign3A_41, %sign3A_44 : i32
    %ne3A_46 = arith.cmpi ne, %sign3A_38, %sign3A_45 : i32
    %rem3A_47 = arith.remsi %select_n3A_29, %jit3A_30 : i32
    %ne3A_48 = arith.constant 0 : i32
    %ne3A_49 = arith.cmpi ne, %rem3A_47, %ne3A_48 : i32
    %and3A_50 = arith.andi %ne3A_46, %ne3A_49 : i1
    %sub3A_51 = arith.constant 1 : i32
    %sub3A_52 = arith.subi %div3A_31, %sub3A_51 : i32
    %select_n3A_53 = arith.select %and3A_50, %sub3A_52, %div3A_31 : i32
    %add3A_54 = arith.addi %mul3A_16, %select_n3A_53 : i32
    %c0_i32 = arith.constant 0 : i32
    %c0_i32_55 = arith.constant 0 : i32
    return %add3A_54, %arg1, %c0_i32 : i32, i32, i32
  }
  func.func @transform_1(%arg0: i32, %arg1: i32) -> (i32, i32, i32) {
    %jit3A = arith.constant 9 : i32
    %div3A = arith.divsi %arg0, %jit3A : i32
    %sign3A = arith.constant 0 : i32
    %sign3A_0 = arith.cmpi sgt, %arg0, %sign3A : i32
    %sign3A_1 = arith.extui %sign3A_0 : i1 to i32
    %sign3A_2 = arith.constant 0 : i32
    %sign3A_3 = arith.cmpi slt, %arg0, %sign3A_2 : i32
    %sign3A_4 = arith.extui %sign3A_3 : i1 to i32
    %sign3A_5 = arith.subi %sign3A_1, %sign3A_4 : i32
    %sign3A_6 = arith.constant 0 : i32
    %sign3A_7 = arith.cmpi sgt, %jit3A, %sign3A_6 : i32
    %sign3A_8 = arith.extui %sign3A_7 : i1 to i32
    %sign3A_9 = arith.constant 0 : i32
    %sign3A_10 = arith.cmpi slt, %jit3A, %sign3A_9 : i32
    %sign3A_11 = arith.extui %sign3A_10 : i1 to i32
    %sign3A_12 = arith.subi %sign3A_8, %sign3A_11 : i32
    %ne3A = arith.cmpi ne, %sign3A_5, %sign3A_12 : i32
    %rem3A = arith.remsi %arg0, %jit3A : i32
    %ne3A_13 = arith.constant 0 : i32
    %ne3A_14 = arith.cmpi ne, %rem3A, %ne3A_13 : i32
    %and3A = arith.andi %ne3A, %ne3A_14 : i1
    %sub3A = arith.constant 1 : i32
    %sub3A_15 = arith.subi %div3A, %sub3A : i32
    %select_n3A = arith.select %and3A, %sub3A_15, %div3A : i32
    %mul3A = arith.constant 3 : i32
    %mul3A_16 = arith.muli %select_n3A, %mul3A : i32
    %jit3A_17 = arith.constant 9 : i32
    %eq3A = arith.constant 0 : i32
    %eq3A_18 = arith.cmpi eq, %jit3A_17, %eq3A : i32
    %jit3A_19 = arith.constant 1 : i32
    %select_n3A_20 = arith.select %eq3A_18, %jit3A_19, %jit3A_17 : i32
    %rem3A_21 = arith.remsi %arg0, %select_n3A_20 : i32
    %ne3A_22 = arith.constant 0 : i32
    %ne3A_23 = arith.cmpi ne, %rem3A_21, %ne3A_22 : i32
    %lt3A = arith.constant 0 : i32
    %lt3A_24 = arith.cmpi slt, %rem3A_21, %lt3A : i32
    %lt3A_25 = arith.constant 0 : i32
    %lt3A_26 = arith.cmpi slt, %select_n3A_20, %lt3A_25 : i32
    %ne3A_27 = arith.xori %lt3A_24, %lt3A_26 : i1
    %and3A_28 = arith.andi %ne3A_27, %ne3A_23 : i1
    %add3A = arith.addi %rem3A_21, %select_n3A_20 : i32
    %select_n3A_29 = arith.select %and3A_28, %add3A, %rem3A_21 : i32
    %jit3A_30 = arith.constant 3 : i32
    %div3A_31 = arith.divsi %select_n3A_29, %jit3A_30 : i32
    %sign3A_32 = arith.constant 0 : i32
    %sign3A_33 = arith.cmpi sgt, %select_n3A_29, %sign3A_32 : i32
    %sign3A_34 = arith.extui %sign3A_33 : i1 to i32
    %sign3A_35 = arith.constant 0 : i32
    %sign3A_36 = arith.cmpi slt, %select_n3A_29, %sign3A_35 : i32
    %sign3A_37 = arith.extui %sign3A_36 : i1 to i32
    %sign3A_38 = arith.subi %sign3A_34, %sign3A_37 : i32
    %sign3A_39 = arith.constant 0 : i32
    %sign3A_40 = arith.cmpi sgt, %jit3A_30, %sign3A_39 : i32
    %sign3A_41 = arith.extui %sign3A_40 : i1 to i32
    %sign3A_42 = arith.constant 0 : i32
    %sign3A_43 = arith.cmpi slt, %jit3A_30, %sign3A_42 : i32
    %sign3A_44 = arith.extui %sign3A_43 : i1 to i32
    %sign3A_45 = arith.subi %sign3A_41, %sign3A_44 : i32
    %ne3A_46 = arith.cmpi ne, %sign3A_38, %sign3A_45 : i32
    %rem3A_47 = arith.remsi %select_n3A_29, %jit3A_30 : i32
    %ne3A_48 = arith.constant 0 : i32
    %ne3A_49 = arith.cmpi ne, %rem3A_47, %ne3A_48 : i32
    %and3A_50 = arith.andi %ne3A_46, %ne3A_49 : i1
    %sub3A_51 = arith.constant 1 : i32
    %sub3A_52 = arith.subi %div3A_31, %sub3A_51 : i32
    %select_n3A_53 = arith.select %and3A_50, %sub3A_52, %div3A_31 : i32
    %sub3A_54 = arith.constant 1 : i32
    %sub3A_55 = arith.subi %select_n3A_53, %sub3A_54 : i32
    %jit3A_56 = arith.constant 3 : i32
    %eq3A_57 = arith.constant 0 : i32
    %eq3A_58 = arith.cmpi eq, %jit3A_56, %eq3A_57 : i32
    %jit3A_59 = arith.constant 1 : i32
    %select_n3A_60 = arith.select %eq3A_58, %jit3A_59, %jit3A_56 : i32
    %rem3A_61 = arith.remsi %arg0, %select_n3A_60 : i32
    %ne3A_62 = arith.constant 0 : i32
    %ne3A_63 = arith.cmpi ne, %rem3A_61, %ne3A_62 : i32
    %lt3A_64 = arith.constant 0 : i32
    %lt3A_65 = arith.cmpi slt, %rem3A_61, %lt3A_64 : i32
    %lt3A_66 = arith.constant 0 : i32
    %lt3A_67 = arith.cmpi slt, %select_n3A_60, %lt3A_66 : i32
    %ne3A_68 = arith.xori %lt3A_65, %lt3A_67 : i1
    %and3A_69 = arith.andi %ne3A_68, %ne3A_63 : i1
    %add3A_70 = arith.addi %rem3A_61, %select_n3A_60 : i32
    %select_n3A_71 = arith.select %and3A_69, %add3A_70, %rem3A_61 : i32
    %add3A_72 = arith.addi %sub3A_55, %select_n3A_71 : i32
    %jit3A_73 = arith.constant 0 : i32
    %jit3A_74 = arith.constant 2 : i32
    %max3A = arith.maxsi %jit3A_73, %add3A_72 : i32
    %min3A = arith.minsi %jit3A_74, %max3A : i32
    %add3A_75 = arith.addi %mul3A_16, %min3A : i32
    %c0_i32 = arith.constant 0 : i32
    %c0_i32_76 = arith.constant 0 : i32
    %c0_i32_77 = arith.constant 0 : i32
    return %add3A_75, %c0_i32, %c0_i32_76 : i32, i32, i32
  }
  func.func @transform_2(%arg0: i32, %arg1: i32) -> (i32, i32) {
    %c0_i32 = arith.constant 0 : i32
    %c0_i32_0 = arith.constant 0 : i32
    %c0_i32_1 = arith.constant 0 : i32
    return %c0_i32, %c0_i32_0 : i32, i32
  }
  func.func @transform_3(%arg0: i32, %arg1: i32) -> (i32, i32, i32) {
    %c0_i32 = arith.constant 0 : i32
    %c0_i32_0 = arith.constant 0 : i32
    return %arg0, %arg1, %c0_i32 : i32, i32, i32
  }
}

module attributes {stable_mosaic.version = 14 : i64} {
  func.func @_mlp_body(%arg0: i32, %arg1: memref<3x1x1x18432xf32, #tpu.memory_space<vmem>>, %arg2: memref<32x4xf32, #tpu.memory_space<vmem>>, %arg3: memref<64x32xf32, #tpu.memory_space<vmem>>, %arg4: memref<64x6144xf32, #tpu.memory_space<vmem>>) attributes {dimension_semantics = [#tpu.dimension_semantics<arbitrary>], iteration_bounds = array<i64: 32>, scalar_prefetch = 0 : i64, scratch_operands = 0 : i64, tpu.core_type = #tpu.core_type<tc>, window_params = [{transform_indices = @transform_0, window_bounds = array<i64: 3, 1, 1, 18432>}, {pipeline_mode = #tpu.pipeline_mode<synchronous>, transform_indices = @transform_1, window_bounds = array<i64: 32, 4>}, {pipeline_mode = #tpu.pipeline_mode<synchronous>, transform_indices = @transform_2, window_bounds = array<i64: 64, 32>}, {pipeline_mode = #tpu.pipeline_mode<synchronous>, transform_indices = @transform_3, window_bounds = array<i64: 64, 6144>}]} {
    %get3A = arith.constant 0 : index
    %get3A_0 = arith.constant 0 : index
    %get3A_1 = arith.constant 0 : index
    %get3A_2 = arith.constant 0 : index
    %get3A_3 = vector.load %arg1[%get3A, %get3A_0, %get3A_1, %get3A_2] : memref<3x1x1x18432xf32, #tpu.memory_space<vmem>>, vector<3x1x1x18432xf32>
    %get3A_4 = vector.shape_cast %get3A_3 : vector<3x1x1x18432xf32> to vector<3x18432xf32>
    %iota3A = tpu.iota {dimensions = array<i32: 1>} : vector<1x18432xi32>
    %jit3A = arith.constant 1024 : i32
    %div3A = vector.broadcast %jit3A : i32 to vector<1x18432xi32>
    %div3A_5 = arith.divsi %iota3A, %div3A : vector<1x18432xi32>
    %sign3A = arith.constant 0 : i32
    %sign3A_6 = vector.broadcast %sign3A : i32 to vector<1x18432xi32>
    %sign3A_7 = arith.cmpi sgt, %iota3A, %sign3A_6 : vector<1x18432xi32>
    %sign3A_8 = arith.extui %sign3A_7 : vector<1x18432xi1> to vector<1x18432xi32>
    %sign3A_9 = arith.constant 0 : i32
    %sign3A_10 = vector.broadcast %sign3A_9 : i32 to vector<1x18432xi32>
    %sign3A_11 = arith.cmpi slt, %iota3A, %sign3A_10 : vector<1x18432xi32>
    %sign3A_12 = arith.extui %sign3A_11 : vector<1x18432xi1> to vector<1x18432xi32>
    %sign3A_13 = arith.subi %sign3A_8, %sign3A_12 : vector<1x18432xi32>
    %sign3A_14 = arith.constant 0 : i32
    %sign3A_15 = arith.cmpi sgt, %jit3A, %sign3A_14 : i32
    %sign3A_16 = arith.extui %sign3A_15 : i1 to i32
    %sign3A_17 = arith.constant 0 : i32
    %sign3A_18 = arith.cmpi slt, %jit3A, %sign3A_17 : i32
    %sign3A_19 = arith.extui %sign3A_18 : i1 to i32
    %sign3A_20 = arith.subi %sign3A_16, %sign3A_19 : i32
    %ne3A = vector.broadcast %sign3A_20 : i32 to vector<1x18432xi32>
    %ne3A_21 = arith.cmpi ne, %sign3A_13, %ne3A : vector<1x18432xi32>
    %rem3A = vector.broadcast %jit3A : i32 to vector<1x18432xi32>
    %rem3A_22 = arith.remsi %iota3A, %rem3A : vector<1x18432xi32>
    %ne3A_23 = arith.constant 0 : i32
    %ne3A_24 = vector.broadcast %ne3A_23 : i32 to vector<1x18432xi32>
    %ne3A_25 = arith.cmpi ne, %rem3A_22, %ne3A_24 : vector<1x18432xi32>
    %and3A = arith.andi %ne3A_21, %ne3A_25 : vector<1x18432xi1>
    %sub3A = arith.constant 1 : i32
    %sub3A_26 = vector.broadcast %sub3A : i32 to vector<1x18432xi32>
    %sub3A_27 = arith.subi %div3A_5, %sub3A_26 : vector<1x18432xi32>
    %select_n3A = arith.select %and3A, %sub3A_27, %div3A_5 : vector<1x18432xi1>, vector<1x18432xi32>
    %jit3A_28 = arith.constant 3 : i32
    %eq3A = arith.constant 0 : i32
    %eq3A_29 = arith.cmpi eq, %jit3A_28, %eq3A : i32
    %jit3A_30 = arith.constant 1 : i32
    %select_n3A_31 = arith.select %eq3A_29, %jit3A_30, %jit3A_28 : i32
    %rem3A_32 = vector.broadcast %select_n3A_31 : i32 to vector<1x18432xi32>
    %rem3A_33 = arith.remsi %select_n3A, %rem3A_32 : vector<1x18432xi32>
    %ne3A_34 = arith.constant 0 : i32
    %ne3A_35 = vector.broadcast %ne3A_34 : i32 to vector<1x18432xi32>
    %ne3A_36 = arith.cmpi ne, %rem3A_33, %ne3A_35 : vector<1x18432xi32>
    %lt3A = arith.constant 0 : i32
    %lt3A_37 = vector.broadcast %lt3A : i32 to vector<1x18432xi32>
    %lt3A_38 = arith.cmpi slt, %rem3A_33, %lt3A_37 : vector<1x18432xi32>
    %lt3A_39 = arith.constant 0 : i32
    %lt3A_40 = arith.cmpi slt, %select_n3A_31, %lt3A_39 : i32
    %ne3A_41 = vector.broadcast %lt3A_40 : i1 to vector<1x18432xi1>
    %ne3A_42 = vector.broadcast %ne3A_41 : vector<1x18432xi1> to vector<1x18432xi1>
    %ne3A_43 = arith.xori %lt3A_38, %ne3A_42 : vector<1x18432xi1>
    %and3A_44 = arith.andi %ne3A_43, %ne3A_36 : vector<1x18432xi1>
    %add3A = vector.broadcast %select_n3A_31 : i32 to vector<1x18432xi32>
    %add3A_45 = arith.addi %rem3A_33, %add3A : vector<1x18432xi32>
    %select_n3A_46 = arith.select %and3A_44, %add3A_45, %rem3A_33 : vector<1x18432xi1>, vector<1x18432xi32>
    %sub3A_47 = arith.constant 1 : i32
    %sub3A_48 = vector.broadcast %sub3A_47 : i32 to vector<1x18432xi32>
    %sub3A_49 = arith.subi %select_n3A_46, %sub3A_48 : vector<1x18432xi32>
    %convert_element_type3A = arith.sitofp %sub3A_49 : vector<1x18432xi32> to vector<1x18432xf32>
    %concatenate3A = tpu.concatenate %get3A_4, %convert_element_type3A in 0 : vector<3x18432xf32>, vector<1x18432xf32> -> vector<4x18432xf32>
    %get3A_50 = arith.constant 0 : index
    %get3A_51 = arith.constant 0 : index
    %get3A_52 = vector.load %arg2[%get3A_50, %get3A_51] : memref<32x4xf32, #tpu.memory_space<vmem>>, vector<32x4xf32>
    %dot_general3A = arith.constant dense<0.000000e+00> : vector<32x18432xf32>
    %dot_general3A_53 = tpu.matmul %get3A_52, %concatenate3A, %dot_general3A {dimension_numbers = #tpu.dot_dimension_numbers<[1], [0], [0], [1], [0, 0, 1, 1], [], []>, transpose_lhs_hint = false} : vector<32x4xf32>, vector<4x18432xf32>, vector<32x18432xf32> -> vector<32x18432xf32>
    %max3A = arith.constant 0.000000e+00 : f32
    %max3A_54 = vector.broadcast %max3A : f32 to vector<32x18432xf32>
    %max3A_55 = arith.maximumf %dot_general3A_53, %max3A_54 : vector<32x18432xf32>
    %get3A_56 = arith.constant 0 : index
    %get3A_57 = arith.constant 0 : index
    %get3A_58 = vector.load %arg3[%get3A_56, %get3A_57] : memref<64x32xf32, #tpu.memory_space<vmem>>, vector<64x32xf32>
    %dot_general3A_59 = arith.constant dense<0.000000e+00> : vector<64x18432xf32>
    %dot_general3A_60 = tpu.matmul %get3A_58, %max3A_55, %dot_general3A_59 {dimension_numbers = #tpu.dot_dimension_numbers<[1], [0], [0], [1], [0, 0, 1, 1], [], []>, transpose_lhs_hint = false} : vector<64x32xf32>, vector<32x18432xf32>, vector<64x18432xf32> -> vector<64x18432xf32>
    %max3A_61 = arith.constant 0.000000e+00 : f32
    %max3A_62 = vector.broadcast %max3A_61 : f32 to vector<64x18432xf32>
    %max3A_63 = arith.maximumf %dot_general3A_60, %max3A_62 : vector<64x18432xf32>
    %slice3A = vector.extract_strided_slice %max3A_63 {offsets = [0, 0], sizes = [64, 1024], strides = [1, 1]} : vector<64x18432xf32> to vector<64x1024xf32>
    %slice3A_64 = vector.extract_strided_slice %max3A_63 {offsets = [0, 1024], sizes = [64, 1024], strides = [1, 1]} : vector<64x18432xf32> to vector<64x1024xf32>
    %max3A_65 = arith.maximumf %slice3A, %slice3A_64 : vector<64x1024xf32>
    %slice3A_66 = vector.extract_strided_slice %max3A_63 {offsets = [0, 2048], sizes = [64, 1024], strides = [1, 1]} : vector<64x18432xf32> to vector<64x1024xf32>
    %max3A_67 = arith.maximumf %max3A_65, %slice3A_66 : vector<64x1024xf32>
    %slice3A_68 = vector.extract_strided_slice %max3A_63 {offsets = [0, 3072], sizes = [64, 1024], strides = [1, 1]} : vector<64x18432xf32> to vector<64x1024xf32>
    %slice3A_69 = vector.extract_strided_slice %max3A_63 {offsets = [0, 4096], sizes = [64, 1024], strides = [1, 1]} : vector<64x18432xf32> to vector<64x1024xf32>
    %max3A_70 = arith.maximumf %slice3A_68, %slice3A_69 : vector<64x1024xf32>
    %slice3A_71 = vector.extract_strided_slice %max3A_63 {offsets = [0, 5120], sizes = [64, 1024], strides = [1, 1]} : vector<64x18432xf32> to vector<64x1024xf32>
    %max3A_72 = arith.maximumf %max3A_70, %slice3A_71 : vector<64x1024xf32>
    %slice3A_73 = vector.extract_strided_slice %max3A_63 {offsets = [0, 6144], sizes = [64, 1024], strides = [1, 1]} : vector<64x18432xf32> to vector<64x1024xf32>
    %slice3A_74 = vector.extract_strided_slice %max3A_63 {offsets = [0, 7168], sizes = [64, 1024], strides = [1, 1]} : vector<64x18432xf32> to vector<64x1024xf32>
    %max3A_75 = arith.maximumf %slice3A_73, %slice3A_74 : vector<64x1024xf32>
    %slice3A_76 = vector.extract_strided_slice %max3A_63 {offsets = [0, 8192], sizes = [64, 1024], strides = [1, 1]} : vector<64x18432xf32> to vector<64x1024xf32>
    %max3A_77 = arith.maximumf %max3A_75, %slice3A_76 : vector<64x1024xf32>
    %slice3A_78 = vector.extract_strided_slice %max3A_63 {offsets = [0, 9216], sizes = [64, 1024], strides = [1, 1]} : vector<64x18432xf32> to vector<64x1024xf32>
    %slice3A_79 = vector.extract_strided_slice %max3A_63 {offsets = [0, 10240], sizes = [64, 1024], strides = [1, 1]} : vector<64x18432xf32> to vector<64x1024xf32>
    %max3A_80 = arith.maximumf %slice3A_78, %slice3A_79 : vector<64x1024xf32>
    %slice3A_81 = vector.extract_strided_slice %max3A_63 {offsets = [0, 11264], sizes = [64, 1024], strides = [1, 1]} : vector<64x18432xf32> to vector<64x1024xf32>
    %max3A_82 = arith.maximumf %max3A_80, %slice3A_81 : vector<64x1024xf32>
    %slice3A_83 = vector.extract_strided_slice %max3A_63 {offsets = [0, 12288], sizes = [64, 1024], strides = [1, 1]} : vector<64x18432xf32> to vector<64x1024xf32>
    %slice3A_84 = vector.extract_strided_slice %max3A_63 {offsets = [0, 13312], sizes = [64, 1024], strides = [1, 1]} : vector<64x18432xf32> to vector<64x1024xf32>
    %max3A_85 = arith.maximumf %slice3A_83, %slice3A_84 : vector<64x1024xf32>
    %slice3A_86 = vector.extract_strided_slice %max3A_63 {offsets = [0, 14336], sizes = [64, 1024], strides = [1, 1]} : vector<64x18432xf32> to vector<64x1024xf32>
    %max3A_87 = arith.maximumf %max3A_85, %slice3A_86 : vector<64x1024xf32>
    %slice3A_88 = vector.extract_strided_slice %max3A_63 {offsets = [0, 15360], sizes = [64, 1024], strides = [1, 1]} : vector<64x18432xf32> to vector<64x1024xf32>
    %slice3A_89 = vector.extract_strided_slice %max3A_63 {offsets = [0, 16384], sizes = [64, 1024], strides = [1, 1]} : vector<64x18432xf32> to vector<64x1024xf32>
    %max3A_90 = arith.maximumf %slice3A_88, %slice3A_89 : vector<64x1024xf32>
    %slice3A_91 = vector.extract_strided_slice %max3A_63 {offsets = [0, 17408], sizes = [64, 1024], strides = [1, 1]} : vector<64x18432xf32> to vector<64x1024xf32>
    %max3A_92 = arith.maximumf %max3A_90, %slice3A_91 : vector<64x1024xf32>
    %concatenate3A_93 = tpu.concatenate %max3A_67, %max3A_72, %max3A_77, %max3A_82, %max3A_87, %max3A_92 in 1 : vector<64x1024xf32>, vector<64x1024xf32>, vector<64x1024xf32>, vector<64x1024xf32>, vector<64x1024xf32>, vector<64x1024xf32> -> vector<64x6144xf32>
    %eq3A_94 = arith.constant 0 : i32
    %eq3A_95 = arith.cmpi eq, %arg0, %eq3A_94 : i32
    %convert_element_type3A_96 = arith.extui %eq3A_95 : i1 to i32
    %cond3A = arith.constant 0 : i32
    %cond3A_97 = arith.cmpi ne, %convert_element_type3A_96, %cond3A : i32
    scf.if %cond3A_97 {
      %swap3A = arith.constant 0 : index
      %swap3A_102 = arith.constant 0 : index
      %swap3A_103 = vector.load %arg4[%swap3A, %swap3A_102] : memref<64x6144xf32, #tpu.memory_space<vmem>>, vector<64x6144xf32>
      tpu.vector_store %arg4[%swap3A, %swap3A_102], %concatenate3A_93 {strides = array<i32>} : memref<64x6144xf32, #tpu.memory_space<vmem>>, vector<64x6144xf32>,
    } else {
    }
    %gt3A = arith.constant 0 : i32
    %gt3A_98 = arith.cmpi sgt, %arg0, %gt3A : i32
    %convert_element_type3A_99 = arith.extui %gt3A_98 : i1 to i32
    %cond3A_100 = arith.constant 0 : i32
    %cond3A_101 = arith.cmpi ne, %convert_element_type3A_99, %cond3A_100 : i32
    scf.if %cond3A_101 {
      %get3A_102 = arith.constant 0 : index
      %get3A_103 = arith.constant 0 : index
      %get3A_104 = vector.load %arg4[%get3A_102, %get3A_103] : memref<64x6144xf32, #tpu.memory_space<vmem>>, vector<64x6144xf32>
      %max3A_105 = arith.maximumf %get3A_104, %concatenate3A_93 : vector<64x6144xf32>
      %swap3A = arith.constant 0 : index
      %swap3A_106 = arith.constant 0 : index
      %swap3A_107 = vector.load %arg4[%swap3A, %swap3A_106] : memref<64x6144xf32, #tpu.memory_space<vmem>>, vector<64x6144xf32>
      tpu.vector_store %arg4[%swap3A, %swap3A_106], %max3A_105 {strides = array<i32>} : memref<64x6144xf32, #tpu.memory_space<vmem>>, vector<64x6144xf32>,
    } else {
    }
    return
  }
  func.func @transform_0(%arg0: i32) -> (i32, i32, i32, i32) {
    %c0_i32 = arith.constant 0 : i32
    %c0_i32_0 = arith.constant 0 : i32
    %c0_i32_1 = arith.constant 0 : i32
    %c0_i32_2 = arith.constant 0 : i32
    return %c0_i32, %arg0, %c0_i32_0, %c0_i32_1 : i32, i32, i32, i32
  }
  func.func @transform_1(%arg0: i32) -> (i32, i32) {
    %c0_i32 = arith.constant 0 : i32
    %c0_i32_0 = arith.constant 0 : i32
    %c0_i32_1 = arith.constant 0 : i32
    return %c0_i32, %c0_i32_0 : i32, i32
  }
  func.func @transform_2(%arg0: i32) -> (i32, i32) {
    %c0_i32 = arith.constant 0 : i32
    %c0_i32_0 = arith.constant 0 : i32
    %c0_i32_1 = arith.constant 0 : i32
    return %c0_i32, %c0_i32_0 : i32, i32
  }
  func.func @transform_3(%arg0: i32) -> (i32, i32) {
    %c0_i32 = arith.constant 0 : i32
    %c0_i32_0 = arith.constant 0 : i32
    %c0_i32_1 = arith.constant 0 : i32
    return %c0_i32, %c0_i32_0 : i32, i32
  }
}

</mosaic_0001>

<sc_bundles>
// kernel: kernel.6.cloned.1.call-start
scs
__scs_entry_jumppad:
0x0: {  	(pc) =	sbr.rel $0x88, $3  }
0x1: {  	(tag) =	ssettag $0x0;
	lr =	simm.s32 $0x1  }
0x2: {  	[smem:$0x3F9E] =	sst lr;
	_ =	strace $0xD0000000  }
0x3: {  	_ = 	snop  }
0x4: {  	_ = 	snop  }
0x5: {  	_ = 	snop  }
0x6: {  	_ = 	snop  }
0x7: {  	_ = 	snop  }
__scs_overlays_trampoline_lowered:
0x8: {  	[smem:$0x3FAD] =	sst s0  }
0x9: {  	[smem:$0x3FAE] =	sst s1  }
0xa: {  	[smem:$0x3FAF] =	sst s2  }
0xb: {  	[smem:$0x3FB0] =	sst s3  }
0xc: {  	[smem:$0x3FB1] =	sst s4  }
0xd: {  	[smem:$0x3FB2] =	sst s5  }
0xe: {  	[smem:$0x3FB3] =	sst s6  }
0xf: {  	[smem:$0x3FB4] =	sst s7  }
0x10: {  	[smem:$0x3FB5] =	sst s8  }
0x11: {  	[smem:$0x3FB6] =	sst s9;
	s0 =	simm.s32 @!p0 $0x0  }
0x12: {  	s1 =	sld [smem:$0x3F9C];
	s0 =	simm.s32 @p0 $0x1  }
0x13: {  	[smem:$0x3FB7] =	sst s0;
	s0 =	simm.s32 @!p1 $0x0  }
0x14: {  	s2 =	sld [smem:$0x3F9B];
	s0 =	simm.s32 @p1 $0x1  }
0x15: {  	[smem:$0x3FB8] =	sst s0;
	s0 =	simm.s32 @!p2 $0x0  }
0x16: {  	s3 =	sld [smem:$0x3FDB];
	s0 =	simm.s32 @p2 $0x1  }
0x17: {  	s4 =	simm.s32 $0x1BF5;
	[smem:$0x3FBA] =	sst s0  }
0x18: {  	s0 =	sld [smem:$0x3F9D];
	_ =	swait.ge [sflag:s4], $0x0  }
0x19: {  	s7 =	sld [smem:$0x3F9E]  }
0x1a: {  	s8 =	sadd.s32 $0xFFFFE003, lr  }
0x1b: {  	s9 =	sadd.s32 $0xFFFFFEF7, lr;
	s5 =	simm.s32 $0xFFFFFFFF;
	p2 =	slt.u32 s8, $0xFFFFF086  }
0x1c: {  	p1 =	slt.u32 s9, $0xF7A;
	s5 =	simm.s32 @!p2 $0x0  }
0x1d: {  	s5 =	simm.s32 @p1 $0x1;
	p0 =	seq.s32 s7, s2  }
0x1e: {  	s7 =	smul.u32 @!p0 $0xF7A, s2;
	p2 =	seq.s32 @!p0 s5, $0x0  }
0x1f: {  	s9 =	smul.u32 $0xF7A, s1;
	s8 =	simm.s32 @!p0 $0x1BF5;
	p2 =	por !p2, p0  }
0x20: {  	[sflag:s8] =	ssyncset.s32 @!p0 $0xFFFFF086;
	s6 =	sadd.s32 @!p0 s3, s7;
	s7 =	simm.s32 @!p0 $0x108  }
0x21: {  	s3 =	sadd.s32 s3, s9;
	s6 =	sadd.s32 @!p0 $0x88, s6;
	s7 =	simm.s32 @p2 $0x1082  }
0x22: {  	[simem:s7], [sflag:s8] =	dma.local @!p0 [hbm:s6], $0xF7A  }
0x23: {  	s9 =	sor.u32 $0xD0000000, s2;
	s6 =	simm.s32 $0x108;
	_ =	swait.ge @!p0 [sflag:s8], $0x0  }
0x24: {  	s3 =	sadd.s32 $0x88, s3;
	s6 =	simm.s32 @!p1 $0x1082;
	[sflag:s4] =	ssyncset.s32 $0xFFFFF086  }
0x25: {  	[simem:s6], [sflag:s4] =	dma.local [hbm:s3], $0xF7A  }
0x26: {  	[smem:$0x3F9E] =	sst s1;
	(tag) =	ssettag s2;
	_ =	strace s9  }
0x27: {  	s1 =	sld [smem:$0x3FAE]  }
0x28: {  	s2 =	sld [smem:$0x3FAF]  }
0x29: {  	s4 =	sld [smem:$0x3FB1]  }
0x2a: {  	p0 =	seq.s32 s5, $0x0;
	s5 =	sld [smem:$0x3FB2]  }
0x2b: {  	s6 =	sld [smem:$0x3FB3]  }
0x2c: {  	s7 =	sld [smem:$0x3FB4]  }
0x2d: {  	s3 =	simm.s32 $0x108;
	s8 =	sld [smem:$0x3FB5]  }
0x2e: {  	s3 =	simm.s32 @!p0 $0x1082;
	s9 =	sld [smem:$0x3FB6]  }
0x2f: {  	lr =	sadd.s32 s0, s3;
	s0 =	sld [smem:$0x3FAD]  }
0x30: {  	s3 =	sld [smem:$0x3FB0]  }
0x31: {  	[smem:$0x3FB9] =	sst s10  }
0x32: {  	s10 =	sld [smem:$0x3FB7];
	_ =	sdelay $0x3  }
0x33: {  	p0 =	seq.s32 s10, $0x1;
	s10 =	sld [smem:$0x3FB9];
	_ =	sdelay $0x3  }
0x34: {  	[smem:$0x3FB9] =	sst s10  }
0x35: {  	s10 =	sld [smem:$0x3FB8];
	_ =	sdelay $0x3  }
0x36: {  	p1 =	seq.s32 s10, $0x1;
	s10 =	sld [smem:$0x3FB9];
	_ =	sdelay $0x3  }
0x37: {  	[smem:$0x3FB9] =	sst s10  }
0x38: {  	s10 =	sld [smem:$0x3FBA]  }
0x39: {  	_ = 	snop;
	(pc) =	sbr.ind lr, $3  }
0x3a: {  	_ = 	snop  }
0x3b: {  	_ = 	snop  }
0x3c: {  	p2 =	seq.s32 s10, $0x1;
	s10 =	sld [smem:$0x3FB9]  }
0x3d: {  	_ =	shalt  }
0x3e: {  	_ =	shalt  }
0x3f: {  	_ =	shalt  }
0x40: {  	_ =	shalt  }
0x41: {  	_ =	shalt  }
0x42: {  	_ =	shalt  }
0x43: {  	_ =	shalt  }
0x44: {  	_ =	shalt  }
0x45: {  	_ =	shalt  }
0x46: {  	_ =	shalt  }
0x47: {  	_ =	shalt  }
0x48: {  	_ =	shalt  }
0x49: {  	_ =	shalt  }
0x4a: {  	_ =	shalt  }
0x4b: {  	_ =	shalt  }
0x4c: {  	_ =	shalt  }
0x4d: {  	_ =	shalt  }
0x4e: {  	_ =	shalt  }
0x4f: {  	_ =	shalt  }
0x50: {  	_ =	shalt  }
0x51: {  	_ =	shalt  }
0x52: {  	_ =	shalt  }
0x53: {  	_ =	shalt  }
0x54: {  	_ =	shalt  }
0x55: {  	_ =	shalt  }
0x56: {  	_ =	shalt  }
0x57: {  	_ =	shalt  }
0x58: {  	_ =	shalt  }
0x59: {  	_ =	shalt  }
0x5a: {  	_ =	shalt  }
0x5b: {  	_ =	shalt  }
0x5c: {  	_ =	shalt  }
0x5d: {  	_ =	shalt  }
0x5e: {  	_ =	shalt  }
0x5f: {  	_ =	shalt  }
0x60: {  	_ =	shalt  }
0x61: {  	_ =	shalt  }
0x62: {  	_ =	shalt  }
0x63: {  	_ =	shalt  }
0x64: {  	_ =	shalt  }
0x65: {  	_ =	shalt  }
0x66: {  	_ =	shalt  }
0x67: {  	_ =	shalt  }
0x68: {  	_ =	shalt  }
0x69: {  	_ =	shalt  }
0x6a: {  	_ =	shalt  }
0x6b: {  	_ =	shalt  }
0x6c: {  	_ =	shalt  }
0x6d: {  	_ =	shalt  }
0x6e: {  	_ =	shalt  }
0x6f: {  	_ =	shalt  }
0x70: {  	_ =	shalt  }
0x71: {  	_ =	shalt  }
0x72: {  	_ =	shalt  }
0x73: {  	_ =	shalt  }
0x74: {  	_ =	shalt  }
0x75: {  	_ =	shalt  }
0x76: {  	_ =	shalt  }
0x77: {  	_ =	shalt  }
0x78: {  	_ =	shalt  }
0x79: {  	_ =	shalt  }
0x7a: {  	_ =	shalt  }
0x7b: {  	_ =	shalt  }
0x7c: {  	_ =	shalt  }
0x7d: {  	_ =	shalt  }
0x7e: {  	_ =	shalt  }
0x7f: {  	_ =	shalt  }
0x80: {  	_ =	shalt  }
0x81: {  	_ =	shalt  }
0x82: {  	_ =	shalt  }
0x83: {  	_ =	shalt  }
0x84: {  	_ =	shalt  }
0x85: {  	_ =	shalt  }
0x86: {  	_ =	shalt  }
0x87: {  	_ =	shalt  }
.Lfunc_end0:
.L_simem_size_0:
called_computation_lowered:
.L_overlay_start_0:
0x88: {  	s2 =	sld [smem:$0x3FD9]  }
0x89: {  	s3 =	sld [smem:$0x3FFE];
	_ =	sdelay $0x1  }
0x8a: {  	s1 =	srdreg.scid  }
0x8b: {  	s0 =	sand.u32 $0x1, s1  }
0x8c: {  	s14 =	sshll.u32 s0, $0xA;
	s2 =	sadd.s32 s3, s2  }
0x8d: {  	s2 =	sadd.s32 s2, s14  }
0x8e: {  	[smem:$0x3FC5] =	sst s2  }
0x8f: {  	_ = 	snop  }
0x90: {  	s2 =	sld [smem:$0x3FD0];
	_ =	sdelay $0x2  }
0x91: {  	s15 =	simm.s32 $0xA;
	s4 =	simm.s32 $0x10  }
0x92: {  	[smem:s4], [sflag:s15] =	dma.local [hbm:s2], $0x1  }
0x93: {  	_ =	swait.eq [sflag:s15], $0x1  }
0x94: {  	[sflag:s15] =	ssyncset.done $0x0  }
0x95: {  	[sflag:s15] =	ssyncadd.s32 $0xFFFFFFFF  }
0x96: {  	s16 =	sld [smem:$0x11];
	(tm) =	ssettm $0x1  }
0x97: {  	s17 =	sld [smem:$0x3FFB];
	_ =	sdelay $0x3  }
0x98: {  	_ =	strace s17  }
0x99: {  	s3 =	sld [smem:$0x3FFC];
	_ =	sdelay $0x3  }
0x9a: {  	_ =	strace s3  }
0x9b: {  	s3 =	sld [smem:$0x3FFD];
	_ =	sdelay $0x3  }
0x9c: {  	_ =	strace s3  }
0x9d: {  	_ =	strace $0x8FFFFFFF  }
0x9e: {  	s18 =	sld [smem:$0x3FDB];
	_ =	sdelay $0x1  }
0x9f: {  	s19 =	simm.s32 $_scs_section_size  }
0xa0: {  	s5 =	simm.s32 $_size__tile_overlayer_lowered;
	s6 =	simm.s32 $_tile_overlayer_lowered  }
0xa1: {  	s22 =	simm.s32 $0x1BFF;
	s21 =	sshll.u32 s6, $0x1;
	s3 =	sadd.s32 s19, s18  }
0xa2: {  	s7 =	simm.s32 $0x0;
	s20 =	sshll.u32 s5, $0x1;
	s5 =	sadd.s32 s21, s3  }
0xa3: {  	[timem:s7], [sflag:s22] =	dma.local [hbm:s5], s20  }
0xa4: {  	_ =	swait.ge [sflag:s22], s20  }
0xa5: {  	s4 =	ssub.s32 $0x0, s20;
	[sflag:s22] =	ssyncset.done $0x0  }
0xa6: {  	[sflag:s22] =	ssyncadd.s32 s4;
	_ =	sdelay $0x1  }
0xa7: {  	s23 =	simm.s32 $0x1B8B  }
0xa8: {  	_ =	swait.ge [sflag:s23], $0x1  }
0xa9: {  	[sflag:s23] =	ssyncset.done $0x0  }
0xaa: {  	s25 =	simm.s32 $0x1B8E;
	s24 =	sld [smem:$0x3FFE];
	[sflag:s23] =	ssyncadd.s32 $0xFFFFFFFF  }
0xab: {  	s26 =	simm.s32 $execute0_lowered;
	[smem:$0x3FD2] =	sst s25  }
0xac: {  	s5 =	sshll.u32 s26, $0x1;
	_ =	strace $0x80000046;
	[dreg:$0x1] =	wrdreg $0xFFFFFFFF  }
0xad: {  	s28 =	simm.s32 $_size_execute0_lowered;
	s3 =	sadd.s32 s3, s5;
	[dreg:$0x0] =	wrdreg $0x0  }
0xae: {  	s5 =	sshll.u32 s28, $0x1;
	[dreg:$0x2] =	wrdreg s3  }
0xaf: {  	[dreg:$0x3] =	wrdreg s5  }
0xb0: {  	[dreg:$0x4] =	wrdreg $0xC0  }
0xb1: {  	_ =	task [dreg:s7], $0x5FFFF  }
0xb2: {  	[dreg:$0x1] =	wrdreg $0xFFFFFFFF  }
0xb3: {  	[dreg:$0x0] =	wrdreg $0x60  }
0xb4: {  	[dreg:$0x2] =	wrdreg s16  }
0xb5: {  	[dreg:$0x3] =	wrdreg s24  }
0xb6: {  	[dreg:$0x4] =	wrdreg $0x9  }
0xb7: {  	_ =	task.clear_ibuf [dreg:s7], $0x5FFFF;
	_ =	strace $0x90000046  }
0xb8: {  	s29 =	simm.s32 $0x9;
	_ =	strace $0x80000048  }
0xb9: {  	_ =	swait.ge [sflag:s29], $0x1  }
0xba: {  	[sflag:s29] =	ssyncadd.s32 $0xFFFFFFFF  }
0xbb: {  	_ =	strace $0x90000048  }
0xbc: {  	_ =	sfence  }
0xbd: {  	s30 =	sld [smem:$0x0];
	_ =	sdelay $0x2  }
0xbe: {  	s31 =	sshll.u32 s1, $0xD;
	s1 =	sshrl.u32 s1, $0x2  }
0xbf: {  	s3 =	sand.u32 $0x4000, s31;
	s1 =	sadd.s32 s1, s30  }
0xc0: {  	s0 =	sor.u32 s3, s0;
	s1 =	sshll.u32 s1, $0x11  }
0xc1: {  	s0 =	sor.u32 s1, s0  }
0xc2: {  	s0 =	sadd.s32 $0x8F2B, s0  }
0xc3: {  	[sflag:s0] =	ssyncadd.remote.s32 $0x1  }
0xc4: {  	_ =	sfence.sel $0xFFFF  }
0xc5: {  	[dreg:$0x0] =	wrdreg $0xFFFFFFFF;
	(pc) =	sbr.abs _section_cstart, $3  }
0xc6: {  	[dreg:$0x1] =	wrdreg $0xFFFFFFFF  }
0xc7: {  	_ =	task.clear_ibuf [dreg:s7], $0x2FFFF;
	_ =	strace $0x9FFFFFFF  }
0xc8: {  	(tm) =	ssettm $0x7FFFFFFF  }
0xc9: {  	_ =	shalt  }
tec
execute0_lowered:
.L_overlay_start_1:
0x0: {  	(tag) =	ssettag $0x1  }
0x1: {  	s1 =	rddreg [dreg:$0x0];
	s2 =	simm.s32 $0x0  }
0x2: {  	[smem:$0x7FF] =	sst s2  }
0x3: {  	s11 =	rddreg [dreg:$0x1];
	v0 =	vimm.f32 $1.000000000e+00;
	_ =	strace $0x80000047  }
0x4: {  	(xrf0) =	vmin.scan.msk.f32 $0xffff, v0;
	_ =	sdelay $0x5  }
0x5: {  	v0, _, _ =	vpop (xrf0)  }
0x6: {  	(v2sf) =	vpush v0, $0xF;
	_ =	sdelay $0x5  }
0x7: {  	s3 =	srdreg.scid;
	s13 =	simm.s32 $0x1;
	s14 =	simm.s32 $0x12000  }
0x8: {  	s17 =	simm.s32 $0x18880;
	s18 =	simm.s32 $0x19880;
	s19 =	simm.s32 $0x1A880  }
0x9: {  	s20 =	simm.s32 $0x80;
	s21 =	simm.s32 $0x9000;
	s22 =	simm.s32 $0x0  }
0xa: {  	s7 =	sand.u32 $0x1, s3;
	s4 =	sadd.s32 $0x400, s11;
	s3 =	stileid.u32  }
0xb: {  	s5 =	sadd.s32 $0xE00, s11;
	s8 =	ssub.s32 $0x2, s7;
	s10 =	sshll.u32 s3, $0x1  }
0xc: {  	s6 =	sadd.s32 $0x48E00, s11;
	s9 =	sshrl.u32 s8, $0x1;
	s7 =	sor.u32 s7, s10  }
.Ltmp0:
0xd: {  	s10 =	sadd.s32 $0x6CE00, s11;
	s11 =	sadd.s32 $0x90E00, s11;
	(pc) =	sbr.rel .LBB2_1-.Ltmp0, $4  }
0xe: {  	s12 =	ssub.s32 s8, s9;
	s30 =	sshll.u32 s7, $0x6;
	s31 =	sshll.u32 s7, $0x4;
	v0 =	vlaneseq.u32  }
0xf: {  	s15 =	sand.u32 $0xF, s7;
	s8 =	sand.u32 $0x3C0, s30;
	s9 =	sand.u32 $0x70, s31;
	v1 =	vmul.u32 $0x80, v0  }
0x10: {  	v3 =	vimm.s32 $0x1;
	v4 =	vimm.s32 $0x0;
	v5 =	vimm.f32 $0.0e+00;
	s12 =	smax.u32 s12, $0x1;
	p0 =	sne.s32 s15, $0x0;
	s16 =	spop (v2sf)  }
0x11: {  	s15 =	simm.s32 $0x16800;
	v2 =	vmul.u32 $0x20, v0;
	v6 =	vor.u32 $0x10, v0;
	v7 =	vor.u32 $0x800, v1;
	p1 =	sgt.f32 s16, $0.0e+00;
	s16 =	simm.s32 $0x18800  }
.LBB2_14:
0x12: {  	s22 =	sadd.s32 $0x1, s22  }
0x13: {  	p2 =	sne.s32 s22, s12  }
.Ltmp1:
0x14: {  	_ = 	snop;
	(pc) =	sbr.rel @!p2 .LBB2_15-.Ltmp1, $1  }
0x15: {  	_ =	sdelay $0x3  }
.LBB2_1:
0x16: {  	[tilespmem:s2], [sflag:$0x1] =	stream.linear.gather [hbm4b:s1+s2], $0x12000, $0x38;
	[tilespmem:$0x1B880] =	vst v63  }
0x17: {  	_ =	swait.ge [sflag:s13], $0x12000  }
0x18: {  	[sflag:s13] =	ssyncset.done $0x0  }
.Ltmp2:
0x19: {  	[sflag:s13] =	ssyncadd.s32 $0xFFFEE000;
	(pc) =	sbr.rel .LBB2_2-.Ltmp2, $4  }
0x1a: {  	[tilespmem:s14], [sflag:$0x1] =	stream.linear.gather [hbm4b:s4+s2], $0x4800, $0x38;
	[tilespmem:$0x1B880] =	vst v63  }
0x1b: {  	_ =	swait.ge [sflag:s13], $0x4800  }
0x1c: {  	[sflag:s13] =	ssyncset.done $0x0  }
0x1d: {  	s23 =	simm.s32 $0x0;
	[sflag:s13] =	ssyncadd.s32 $0xFFFFB800  }
.LBB2_13:
0x1e: {  	s0 =	sshll.u32 s24, $0x4  }
0x1f: {  	s0 =	sand.u32 $0x1F80, s0  }
0x20: {  	s0 =	sor.u32 s9, s0  }
0x21: {  	s30 =	sadd.s32 s6, s0  }
0x22: {  	[hbm4b:s30+s20] =	stream.strided.scatter [tilespmem:s17], [sflag:$0x1], $0x1000, s21, s20, $0x38;
	[tilespmem:$0x1B880] =	vst v63  }
0x23: {  	_ =	swait.ge [sflag:s13], $0x1000  }
0x24: {  	[sflag:s13] =	ssyncset.done $0x0  }
0x25: {  	s31 =	sadd.s32 s0, s10;
	[sflag:s13] =	ssyncadd.s32 $0xFFFFF000  }
0x26: {  	[hbm4b:s31+s20] =	stream.strided.scatter [tilespmem:s18], [sflag:$0x1], $0x1000, s21, s20, $0x38;
	[tilespmem:$0x1B880] =	vst v63  }
0x27: {  	s23 =	sadd.s32 $0x1, s23;
	_ =	swait.ge [sflag:s13], $0x1000  }
0x28: {  	p2 =	sne.s32 s23, $0x9;
	[sflag:s13] =	ssyncset.done $0x0  }
.Ltmp3:
0x29: {  	s0 =	sadd.s32 s0, s11;
	[sflag:s13] =	ssyncadd.s32 $0xFFFFF000;
	(pc) =	sbr.rel @!p2 .LBB2_14-.Ltmp3, $4  }
0x2a: {  	[hbm4b:s0+s20] =	stream.strided.scatter [tilespmem:s19], [sflag:$0x1], $0x1000, s21, s20, $0x38;
	[tilespmem:$0x1B880] =	vst v63  }
0x2b: {  	_ =	swait.ge [sflag:s13], $0x1000  }
0x2c: {  	[sflag:s13] =	ssyncset.done $0x0  }
0x2d: {  	[sflag:s13] =	ssyncadd.s32 $0xFFFFF000  }
.LBB2_2:
0x2e: {  	s24 =	sshll.u32 s23, $0x5  }
0x2f: {  	s24 =	sor.u32 s7, s24  }
0x30: {  	p2 =	seq.s32 s24, $0x0  }
0x31: {  	p2 =	por !p0, !p2  }
0x32: {  	s25 =	simm.s32 $0x1;
	p2 =	por !p2, !p2  }
0x33: {  	s26 =	sshrl.u32 s24, $0x4;
	s25 =	simm.s32 @!p2 $0x0  }
0x34: {  	s25 =	ssub.s32 s26, s25  }
0x35: {  	s26 =	smulhi.u32 $0x38E38E39, s25;
	s28 =	sshra.s32 s25, $0x1F  }
0x36: {  	s29 =	smul.u32 $0x38E38E39, s28;
	_ =	sdelay $0x1  }
0x37: {  	s26 =	sadd.s32 s29, s26  }
0x38: {  	s29 =	sshrl.u32 s26, $0x1F;
	s26 =	sshra.s32 s26, $0x1  }
0x39: {  	s26 =	sadd.s32 s29, s26  }
0x3a: {  	s29 =	smul.u32 $0xFFFFFFF7, s26;
	_ =	sdelay $0x1  }
0x3b: {  	s29 =	sadd.s32 s25, s29  }
0x3c: {  	p3 =	slt.s32 s29, $0x0;
	s30 =	sadd.s32 $0x9, s29  }
0x3d: {  	p6 =	sne.s32 s29, $0x0;
	s29 =	smov.u32 @p3 s30  }
0x3e: {  	s30 =	sshll.u32 s29, $0x18  }
0x3f: {  	s31 =	smulhi.u32 $0x55555556, s25;
	s30 =	sshra.s32 s30, $0x18  }
0x40: {  	s30 =	smul.u32 $0x56, s30  }
0x41: {  	s28 =	smul.u32 $0x55555556, s28  }
0x42: {  	s0 =	sshrl.u32 s30, $0x1F;
	s30 =	sshrl.u32 s30, $0x8  }
0x43: {  	s28 =	sadd.s32 s28, s31;
	s0 =	sadd.s32 s0, s30  }
0x44: {  	s31 =	sshrl.u32 s28, $0x1F;
	s30 =	smul.u32 $0xFFFFFFFD, s0  }
0x45: {  	s28 =	sadd.s32 s31, s28;
	p3 =	slt.s32 s29, $0x1;
	s29 =	ssub.s32 $0x0, s29  }
0x46: {  	s28 =	smul.u32 $0x3, s28;
	s29 =	sand.u32 $0xFF, s29;
	s30 =	sand.u32 $0xFF, s30  }
0x47: {  	p5 =	sne.s32 s30, s29  }
0x48: {  	p4 =	slt.s32 s25, $0x1;
	s25 =	ssub.s32 s25, s28;
	p3 =	por !p3, !p5  }
0x49: {  	s28 =	simm.s32 $0xFFFFFFFF;
	s29 =	simm.s32 $0x1;
	p3 =	por !p3, !p3  }
0x4a: {  	p2 =	por !p4, !p6;
	s29 =	simm.s32 @!p3 $0x0;
	p3 =	sgt.s32 s25, $0xFFFFFFFF  }
0x4b: {  	p2 =	por !p2, !p2;
	s0 =	sand.u32 $0xFF, s0;
	s28 =	simm.s32 @!p3 $0x2  }
0x4c: {  	s30 =	simm.s32 $0x1;
	s0 =	ssub.s32 s0, s29;
	s25 =	sadd.s32 s25, s28  }
0x4d: {  	s30 =	simm.s32 @!p2 $0x0;
	s25 =	sadd.s32 s0, s25  }
0x4e: {  	s26 =	ssub.s32 s26, s30;
	p2 =	sgt.s32 s25, $0x0  }
0x4f: {  	s26 =	smul.u32 $0x3, s26;
	s25 =	simm.s32 @!p2 $0x0  }
0x50: {  	s31 =	sshll.u32 s24, $0xA;
	s25 =	smin.u32 s25, $0x2  }
0x51: {  	s28 =	sadd.s32 s5, s31;
	s30 =	sadd.s32 s26, s25;
	s25 =	simm.s32 $0x0  }
0x52: {  	[tilespmem:s15], [sflag:$0x1] =	stream.linear.gather [hbm4b:s28+s25], $0x2000, $0x38;
	[tilespmem:$0x1B880] =	vst v63  }
.Ltmp4:
0x53: {  	_ = 	snop;
	(pc) =	sbr.rel .LBB2_3-.Ltmp4, $4  }
0x54: {  	s0 =	sadd.s32 s26, s0;
	s28 =	smul.u32 $0x3000, s30  }
0x55: {  	s0 =	sshll.u32 s0, $0xA;
	_ =	swait.ge [sflag:s13], $0x2000  }
0x56: {  	[sflag:s13] =	ssyncset.done $0x0;
	s29 =	sadd.s32 $0x1000, s28;
	s31 =	sadd.s32 $0x2000, s28  }
0x57: {  	s26 =	sor.u32 s8, s0;
	v8 =	vmov s28;
	[sflag:s13] =	ssyncadd.s32 $0xFFFFE000;
	v9 =	vmov s29;
	v10 =	vmov s31  }
.LBB2_11:
0x58: {  	v15 =	vxor.u32 $0x80000000, v15  }
.LBB2_12:
0x59: {  	(xrf0) =	vmin.scan.msk.u32 $0xffff, v15;
	_ =	sdelay $0x5  }
0x5a: {  	v15, _, _ =	vpop (xrf0)  }
0x5b: {  	(v2sf) =	vpush v15, $0xF;
	_ =	sdelay $0xd  }
0x5c: {  	v60 =	vld [tilespmem:$0x18800]  }
0x5d: {  	s0 =	spop (v2sf)  }
0x5e: {  	s0 =	sxor.u32 $0x80000000, s0  }
0x5f: {  	vm0 =	vgt.s32 v14, $0x0;
	v16 =	vmov s0  }
0x60: {  	vm14 =	vgt.s32 v14, v0;
	v16 =	vnsel vm0, $0x0, v16  }
0x61: {  	v15 =	vsel vm14, v60, v16  }
0x62: {  	v17 =	vadd.s32 v8, v15  }
0x63: {  	v18 =	vadd.s32 v9, v15  }
0x64: {  	v15 =	vadd.s32 v10, v15  }
0x65: {  	v19 =	vmov s25  }
0x66: {  	v19 =	vand.u32 $0x7F, v19  }
0x67: {  	v19 =	vbroadcast v19, $0x0;
	v17 =	vld.idx.msk [tilespmem:v17+s2+$0x0], $0xffff  }
0x68: {  	v18 =	vld.idx.msk [tilespmem:v18+s2+$0x0], $0xffff  }
0x69: {  	v20 =	vor.u32 v1, v19;
	v15 =	vld.idx.msk [tilespmem:v15+s2+$0x0], $0xffff;
	_ =	sdelay $0x2  }
0x6a: {  	v17 =	vsub.f32 v17, v12  }
0x6b: {  	v18 =	vsub.f32 v18, v13  }
0x6c: {  	v15 =	vsub.f32 v15, v11;
	[tilespmem:v20+s17+$0x0] =	vst.idx.msk $0xffff, v17  }
0x6d: {  	[tilespmem:v20+s18+$0x0] =	vst.idx.msk $0xffff, v18  }
0x6e: {  	[tilespmem:v20+s19+$0x0] =	vst.idx.msk $0xffff, v15  }
0x6f: {  	v15 =	vld [tilespmem:$0x18810];
	_ =	sdelay $0x3  }
0x70: {  	vm15 =	vgt.s32 v14, v6  }
0x71: {  	v14 =	vsel vm15, v15, v16  }
0x72: {  	v15 =	vadd.s32 v8, v14  }
0x73: {  	v16 =	vadd.s32 v9, v14  }
0x74: {  	v14 =	vadd.s32 v10, v14;
	_ =	sdelay $0x2  }
0x75: {  	v15 =	vld.idx.msk [tilespmem:v15+s2+$0x0], $0xffff  }
0x76: {  	v16 =	vld.idx.msk [tilespmem:v16+s2+$0x0], $0xffff  }
0x77: {  	v61 =	vor.u32 v7, v19;
	v14 =	vld.idx.msk [tilespmem:v14+s2+$0x0], $0xffff  }
0x78: {  	s25 =	sadd.s32 $0x1, s25  }
0x79: {  	p2 =	sne.s32 s25, $0x40  }
.Ltmp5:
0x7a: {  	v62 =	vsub.f32 v15, v12;
	(pc) =	sbr.rel @!p2 .LBB2_13-.Ltmp5, $4  }
0x7b: {  	v63 =	vsub.f32 v16, v13  }
0x7c: {  	v11 =	vsub.f32 v14, v11;
	[tilespmem:v61+s17+$0x0] =	vst.idx.msk $0xffff, v62  }
0x7d: {  	[tilespmem:v61+s18+$0x0] =	vst.idx.msk $0xffff, v63  }
0x7e: {  	[tilespmem:v61+s19+$0x0] =	vst.idx.msk $0xffff, v11  }
.LBB2_3:
0x7f: {  	s0 =	sadd.s32 s26, s25  }
0x80: {  	s0 =	smul.u32 $0x3, s0;
	_ =	sdelay $0x1  }
0x81: {  	v11 =	vmov s0;
	s28 =	sadd.s32 $0x1, s0  }
0x82: {  	s0 =	sadd.s32 $0x2, s0;
	v13 =	vmov s28  }
0x83: {  	v14 =	vmov s0  }
.Ltmp6:
0x84: {  	_ = 	snop;
	(pc) =	sbr.rel @!p1 .LBB2_4-.Ltmp6, $4  }
0x85: {  	_ = 	snop  }
0x86: {  	v12 =	vld.idx.msk [tilespmem:v11+s14+$0x0], $0xffff  }
0x87: {  	v13 =	vld.idx.msk [tilespmem:v13+s14+$0x0], $0xffff  }
0x88: {  	v11 =	vld.idx.msk [tilespmem:v14+s14+$0x0], $0xffff  }
.Ltmp7:
0x89: {  	(pc) =	sbr.rel .LBB2_6-.Ltmp7, $4  }
0x8a: {  	s0 =	sshll.u32 s25, $0x7  }
0x8b: {  	s0 =	sand.u32 $0x3FFFFF80, s0  }
0x8c: {  	s0 =	sadd.s32 $0x16800, s0  }
0x8d: {  	v14 =	vimm.s32 $0x0;
	s28 =	simm.s32 $0x0;
	v15 =	vimm.s32 $0x1000;
	v16 =	vmov s0  }
.LBB2_9:
0x8e: {  	_ =	sdelay $0x3  }
0x8f: {  	v21 =	vadd.s32 v18, v23  }
0x90: {  	[tilespmem:v20+s16+$0x0] =	vst.idx.msk vm0, v21  }
.LBB2_10:
0x91: {  	v19 =	vxor.u32 $0x80000000, v19  }
0x92: {  	(xrf0) =	vmax.scan.msk.u32 $0xffff, v19;
	_ =	sdelay $0x5  }
0x93: {  	v19, _, _ =	vpop (xrf0)  }
0x94: {  	(v2sf) =	vpush v19, $0xF;
	_ =	sdelay $0xe  }
0x95: {  	s0 =	spop (v2sf)  }
0x96: {  	s0 =	sxor.u32 $0x80000000, s0  }
0x97: {  	v14 =	vadd.s32 s0, v14  }
0x98: {  	vm0 =	vlt.s32 v14, $0x20  }
0x99: {  	v19 =	vsel vm0, $0x3F800000, v5  }
0x9a: {  	(xrf0) =	vmin.scan.msk.f32 $0xffff, v19;
	_ =	sdelay $0x5  }
0x9b: {  	v19, _, _ =	vpop (xrf0)  }
0x9c: {  	(v2sf) =	vpush v19, $0xF;
	_ =	sdelay $0xe  }
0x9d: {  	p2 =	sgt.u32 s28, $0x6;
	s0 =	spop (v2sf)  }
0x9e: {  	p3 =	sgt.f32 @!p2 s0, $0.0e+00  }
0x9f: {  	v19 =	vsub.s32 v17, v3  }
0xa0: {  	v19 =	vandn.u32 v19, v17;
	p2 =	por p2, !p3  }
.Ltmp8:
0xa1: {  	v19 =	vpcnt v19;
	(pc) =	sbr.rel @p2 .LBB2_11-.Ltmp8, $4  }
0xa2: {  	vm15 =	veq.s32 v17, $0x0;
	v17 =	vadd.s32 v18, v19  }
0xa3: {  	v17 =	vsel vm15, $0x1000, v17  }
0xa4: {  	vm0 =	vlt.s32 v15, v17  }
0xa5: {  	s28 =	sadd.s32 $0x1, s28;
	v15 =	vsel vm0, v15, v17  }
.LBB2_6:
0xa6: {  	_ =	sdelay $0x1  }
0xa7: {  	s0 =	sshll.u32 s28, $0x4  }
0xa8: {  	s0 =	sand.u32 $0x3FFFFFF0, s0  }
0xa9: {  	v17 =	vld.idx.msk [tilespmem:v16+s0+$0x0 ss:$0x1], $0xffff;
	_ =	sdelay $0x4  }
0xaa: {  	v18 =	vpcnt v17  }
0xab: {  	(xrf0) =	vadd.scan.msk.s32 $0xffff, v18;
	_ =	sdelay $0x5  }
0xac: {  	v20 =	vsub.s32 v14, v18;
	v19, _, _ =	vpop (xrf0)  }
0xad: {  	v20 =	vadd.s32 v19, v20  }
0xae: {  	v21 =	vsub.s32 $0x20, v20  }
0xaf: {  	vm0 =	vlt.s32 v18, v21  }
0xb0: {  	v18 =	vsel vm0, v18, v21  }
0xb1: {  	vm0 =	vgt.s32 v18, $0x0  }
0xb2: {  	v18 =	vnsel vm0, $0x0, v18  }
0xb3: {  	v18 =	vor.u32 $0x80000000, v18  }
0xb4: {  	(xrf0) =	vmax.scan.msk.u32 $0xffff, v18;
	_ =	sdelay $0x5  }
0xb5: {  	v18, _, _ =	vpop (xrf0)  }
0xb6: {  	(v2sf) =	vpush v18, $0xF;
	_ =	sdelay $0xe  }
0xb7: {  	s30 =	spop (v2sf)  }
0xb8: {  	s29 =	sxor.u32 $0x80000000, s30  }
0xb9: {  	p2 =	slt.s32 s29, $0x1  }
.Ltmp9:
0xba: {  	_ = 	snop;
	(pc) =	sbr.rel @p2 .LBB2_10-.Ltmp9, $3  }
0xbb: {  	_ =	sdelay $0x1  }
0xbc: {  	s31 =	sshll.u32 s28, $0x9  }
0xbd: {  	v18 =	vor.u32 s31, v2  }
0xbe: {  	p2 =	sne.s32 s29, $0x1  }
.Ltmp10:
0xbf: {  	vm0 =	vne.s32 v17, $0x0;
	(pc) =	sbr.rel @!p2 .LBB2_9-.Ltmp10, $4  }
0xc0: {  	v22 =	vsel vm0, $0x1, v4  }
0xc1: {  	v21 =	vsub.s32 v17, v3;
	vm1 =	vlt.s32 v20, $0x20  }
0xc2: {  	v21 =	vandn.u32 v21, v17;
	vm0 =	vmand vm0, vm1  }
0xc3: {  	s29 =	sadd.s32 $0xFFFFFFFF, s29;
	v23 =	vpcnt v21;
	v21 =	vadd.s32 v22, v20;
	v22 =	vmov v17  }
.LBB2_8:
0xc4: {  	vm1 =	vlt.s32 v21, $0x20;
	v23 =	vadd.s32 v18, v23;
	p2 =	sne.s32 s29, $0x1  }
.Ltmp11:
0xc5: {  	s29 =	sadd.s32 $0xFFFFFFFF, s29;
	v24 =	vadd.s32 $0xFFFFFFFF, v22;
	(pc) =	sbr.rel @p2 .LBB2_8-.Ltmp11, $4  }
0xc6: {  	v22 =	vand.u32 v22, v24  }
0xc7: {  	v24 =	vsub.s32 v22, v3;
	vm2 =	vne.s32 v22, $0x0  }
0xc8: {  	v24 =	vandn.u32 v24, v22;
	v25 =	vsel vm2, $0x1, v4;
	[tilespmem:v20+s16+$0x0] =	vst.idx.msk vm0, v23;
	vm0 =	vmand vm2, vm1;
	v20 =	vmovc v21  }
0xc9: {  	v23 =	vpcnt v24;
	v21 =	vadd.s32 v25, v21  }
.Ltmp12:
0xca: {  	_ = 	snop;
	(pc) =	sbr.rel .LBB2_9-.Ltmp12, $1  }
0xcb: {  	_ =	sdelay $0x3  }
.LBB2_4:
.Ltmp13:
0xcc: {  	(pc) =	sbr.rel .LBB2_12-.Ltmp13, $2  }
0xcd: {  	_ =	sdelay $0x2  }
0xce: {  	v15 =	vimm.s32 $0x80001000;
	v14 =	vimm.s32 $0x0  }
.LBB2_15:
0xcf: {  	_ =	sfence.sel $0x180000  }
0xd0: {  	[bflag:$0x0] =	sbarrier.arrive $0xFFFF  }
0xd1: {  	_ =	strace $0x90000047  }
0xd2: {  	[bflag:$0x2] =	sbarrier.arrive $0xFFFF  }
0xd3: {  	p0 =	sne.s32 s3, $0x0;
	s0 =	rddreg [dreg:$0x2]  }
0xd4: {  	s0 =	sadd.s32 @!p0 $0x100000, s0  }
0xd5: {  	[sflag:s0] =	ssyncadd.tile.s32 @!p0 $0x1;
	_ =	shalt  }
.Lfunc_end2:
_tile_overlayer_lowered:
.L_overlay_start_2:
0xd6: {  	(tag) =	ssettag $0x2  }
0xd7: {  	s0 =	rddreg [dreg:$0x0];
	s2 =	stileid.u32  }
0xd8: {  	s1 =	rddreg [dreg:$0x1];
	p0 =	sne.s32 s2, $0x0  }
0xd9: {  	s3 =	rddreg [dreg:$0x2];
	[bflag:$0x3] =	sbarrier.arrive $0xFFFF;
	s2 =	simm.s32 @!p0 $0x1C01  }
0xda: {  	[timem:s3], [sflag:s2] =	dma.local @!p0 [hbm:s0], s1  }
0xdb: {  	s0 =	simm.s32 @!p0 $0x1  }
0xdc: {  	_ =	swait.ge @!p0 [sflag:s0], s1  }
0xdd: {  	s1 =	ssub.s32 @!p0 $0x0, s1;
	[sflag:s0] =	ssyncset.done @!p0 $0x0  }
0xde: {  	[sflag:s0] =	ssyncadd.s32 @!p0 s1  }
0xdf: {  	[bflag:$0x3] =	sbarrier.arrive $0xFFFF  }
0xe0: {  	_ =	shalt  }

</sc_bundles>
